<compile_context>
chip_gen: v7x
topology: tpu7x:2x2x1
jax: 0.10.2.dev20260603
libtpu: 0.0.44.dev20260713+nightly
codegen_flags: <defaults>
</compile_context>

<pallas_src>
import functools

import jax
import jax.numpy as jnp
from jax import lax
from jax.experimental import pallas as pl
from jax.experimental.pallas import tpu as pltpu
from jax.experimental.pallas import tpu_sc as plsc

_C = 80
_RADIUS = 2.5
_TOPK = 10
_IOU_W = 3.0
_CLS_W = 1.0
_N = 8400
_G = 64
_NW = 32
_RPW = _G // _NW
_NCH = _N // 16
_B = 272
_NPAD = _NW * _B
_CANDCAP = _N + 16
_BIGF = 3e38
_BIGI = 2**30


def _cost_body(ps_ref, pbt_ref, apt_ref, gl_ref, gb_ref, cost_ref):
    N, G = _N, _G
    s = ps_ref[...]
    p = jax.nn.sigmoid(s)
    logp = jnp.maximum(jnp.log(p), -100.0)
    log1mp = jnp.maximum(jnp.log(1.0 - p), -100.0)
    S = jnp.sum(log1mp, axis=1, keepdims=True)
    T = log1mp - logp

    labels_row = gl_ref[...]
    onehot = (labels_row.reshape(G, 1) ==
              jax.lax.broadcasted_iota(jnp.int32, (1, _C), 1)).astype(jnp.float32)
    cls_sel = jax.lax.dot_general(
        onehot, T, (((1,), (1,)), ((), ())),
        precision=jax.lax.Precision.HIGHEST,
        preferred_element_type=jnp.float32)
    cls_cost = cls_sel - S.reshape(1, N)

    px1 = pbt_ref[0:1, :]
    py1 = pbt_ref[1:2, :]
    px2 = pbt_ref[2:3, :]
    py2 = pbt_ref[3:4, :]
    gx1 = gb_ref[:, 0:1]
    gy1 = gb_ref[:, 1:2]
    gx2 = gb_ref[:, 2:3]
    gy2 = gb_ref[:, 3:4]
    ltx = jnp.maximum(px1, gx1)
    lty = jnp.maximum(py1, gy1)
    rbx = jnp.minimum(px2, gx2)
    rby = jnp.minimum(py2, gy2)
    wx = jnp.maximum(rbx - ltx, 0.0)
    wy = jnp.maximum(rby - lty, 0.0)
    overlap = wx * wy
    area1 = (px2 - px1) * (py2 - py1)
    area2 = (gx2 - gx1) * (gy2 - gy1)
    union = area1 + area2 - overlap + 1e-6
    ious = overlap / union

    ax = apt_ref[0:1, :]
    ay = apt_ref[1:2, :]
    in_gt = (ax >= gx1) & (ax <= gx2) & (ay >= gy1) & (ay <= gy2)
    cx = (gx1 + gx2) / 2
    cy = (gy1 + gy2) / 2
    rx = _RADIUS * (gx2 - gx1)
    ry = _RADIUS * (gy2 - gy1)
    in_center = ((ax >= cx - rx) & (ax <= cx + rx) &
                 (ay >= cy - ry) & (ay <= cy + ry))
    inside = in_gt & in_center

    cost = _CLS_W * cls_cost + _IOU_W * (-jnp.log(ious))
    cost_ref[...] = cost + jnp.where(inside, 0.0, 1.0) * 1e10


def _topk_body(cost_hbm, tk_hbm, kk_hbm, row_v, row2_v, ckey_v, cidx_v,
               o1_v, o2_v, sem1, sem2):
    wid = lax.axis_index("s") * 2 + lax.axis_index("c")
    iota = lax.broadcasted_iota(jnp.int32, (16,), 0)
    zeros = jnp.zeros((16,), jnp.int32)

    cp1 = pltpu.make_async_copy(cost_hbm.at[wid * _RPW], row_v, sem1)
    cp2 = pltpu.make_async_copy(cost_hbm.at[wid * _RPW + 1], row2_v, sem2)
    cp1.start()
    cp2.start()

    for rr in range(_RPW):
        r = wid * _RPW + rr
        rbuf = (row_v, row2_v)[rr]
        ((cp1, cp2)[rr]).wait()

        def p1(c, carry):
            dst, idxv = carry
            for u in range(5):
                v = rbuf[pl.ds((c * 5 + u) * 16, 16)]
                cand = v < 1e9
                plsc.store_scatter(ckey_v, [dst], v, mask=cand)
                plsc.store_scatter(cidx_v, [dst], idxv, mask=cand)
                dst = dst + jnp.where(cand, 16, 0)
                idxv = idxv + 16
            return (dst, idxv)

        dst, _ = lax.fori_loop(0, _NCH // 5, p1, (iota, iota))
        offl = lax.shift_right_logical(dst, 4)
        s = offl
        for sh in (8, 4, 2, 1):
            o1_v[...] = s
            s = s + plsc.load_gather(o1_v, [jnp.bitwise_xor(iota, sh)])
        count = s[0]
        som, _ = plsc.sort_key_val(offl, offl)
        maxoff = som[15]

        def p2(c, carry):
            rk, ri = carry
            valid = c < offl
            k1 = jnp.where(valid, ckey_v[pl.ds(c * 16, 16)], _BIGF)
            i1 = cidx_v[pl.ds(c * 16, 16)]
            k1, i1 = plsc.sort_key_val(k1, i1)
            k1r = lax.rev(k1, (0,))
            i1r = lax.rev(i1, (0,))
            m = k1r < rk
            lk = jnp.where(m, k1r, rk)
            li = jnp.where(m, i1r, ri)
            sk, si = plsc.sort_key_val(lk, li)
            return (sk, si)

        rk, ri = lax.fori_loop(
            0, maxoff, p2,
            (jnp.full((16,), _BIGF, jnp.float32), jnp.full((16,), -1, jnp.int32)))

        def fb_fn(_):
            def fb(c, carry):
                bk, bi = carry
                v = rbuf[pl.ds(c * 16, 16)]
                idxv = c * 16 + iota
                upd = (v < bk) | ((v == bk) & (idxv < bi))
                return jnp.where(upd, v, bk), jnp.where(upd, idxv, bi)
            bk, bi = lax.fori_loop(
                0, _NCH, fb,
                (jnp.full((16,), jnp.inf, jnp.float32),
                 jnp.full((16,), _BIGI, jnp.int32)))
            sk, _ = plsc.sort_key_val(bk, bi)
            mn = jnp.zeros((16,), jnp.float32) + sk[0]
            mi = jnp.where(bk == mn, bi, _BIGI)
            sk2, _ = plsc.sort_key_val(mi, mi)
            return sk2[0]

        fbi = lax.cond(count == 0, fb_fn, lambda _: jnp.int32(0), 0)

        cntv = zeros + count
        fv = jnp.where(cntv > 0, ri, zeros + fbi)
        o1_v[...] = fv
        pltpu.sync_copy(o1_v, tk_hbm.at[r])
        o2_v[...] = jnp.clip(cntv, 1, _TOPK)
        pltpu.sync_copy(o2_v, kk_hbm.at[r])


def _asm_body(tk_hbm, kk_hbm, pb_hbm, gl_hbm, gbt_hbm, zs_hbm,
              lab_hbm, bb_hbm, sc_hbm,
              tk_v, kk_v, gl_v, gb_v, pb_v, asg_v, lab_v, bb_v, sc_v, zsem):
    wid = lax.axis_index("s") * 2 + lax.axis_index("c")
    base = jnp.minimum(wid * _B, _N - _B)
    iota = lax.broadcasted_iota(jnp.int32, (16,), 0)
    zeros = jnp.zeros((16,), jnp.int32)

    zcp = pltpu.make_async_copy(zs_hbm, sc_v, zsem)
    zcp.start()
    pltpu.sync_copy(tk_hbm, tk_v)
    pltpu.sync_copy(kk_hbm, kk_v)
    pltpu.sync_copy(gl_hbm, gl_v)
    pltpu.sync_copy(gbt_hbm, gb_v)
    pltpu.sync_copy(pb_hbm.at[pl.ds(base, _B)], pb_v)

    for c in range(_B // 16):
        asg_v[pl.ds(c * 16, 16)] = jnp.full((16,), -1, jnp.int32)

    def srow(g, _):
        tk = tk_v[g]
        kk = kk_v[g][0]
        local = tk - base
        inb = (local >= 0) & (local < _B) & (iota < kk)
        localc = jnp.clip(local, 0, _B - 1)
        plsc.store_scatter(asg_v, [localc], zeros + g, mask=inb)
        return 0

    lax.fori_loop(0, _G, srow, 0)
    zcp.wait()

    def chunk(c, _):
        nl = c * 16 + iota
        a = asg_v[pl.ds(c * 16, 16)]
        pos = a >= 0
        ac = jnp.maximum(a, 0)

        labs = plsc.load_gather(gl_v, [ac])
        labf = jnp.where(pos, labs, _C)
        lab_v[pl.ds(c * 16, 16)] = labf

        px1 = plsc.load_gather(pb_v, [nl, zeros])
        py1 = plsc.load_gather(pb_v, [nl, zeros + 1])
        px2 = plsc.load_gather(pb_v, [nl, zeros + 2])
        py2 = plsc.load_gather(pb_v, [nl, zeros + 3])
        gx1 = plsc.load_gather(gb_v, [zeros, ac])
        gy1 = plsc.load_gather(gb_v, [zeros + 1, ac])
        gx2 = plsc.load_gather(gb_v, [zeros + 2, ac])
        gy2 = plsc.load_gather(gb_v, [zeros + 3, ac])

        ltx = jnp.maximum(px1, gx1)
        lty = jnp.maximum(py1, gy1)
        rbx = jnp.minimum(px2, gx2)
        rby = jnp.minimum(py2, gy2)
        wx = jnp.maximum(rbx - ltx, 0.0)
        wy = jnp.maximum(rby - lty, 0.0)
        overlap = wx * wy
        area1 = (px2 - px1) * (py2 - py1)
        area2 = (gx2 - gx1) * (gy2 - gy1)
        union = area1 + area2 - overlap + 1e-6
        iou = overlap / union
        val = jnp.where(pos, iou, 0.0)

        fz = jnp.zeros((16,), jnp.float32)
        plsc.store_scatter(bb_v, [nl, zeros], jnp.where(pos, gx1, fz))
        plsc.store_scatter(bb_v, [nl, zeros + 1], jnp.where(pos, gy1, fz))
        plsc.store_scatter(bb_v, [nl, zeros + 2], jnp.where(pos, gx2, fz))
        plsc.store_scatter(bb_v, [nl, zeros + 3], jnp.where(pos, gy2, fz))

        plsc.store_scatter(sc_v, [nl, labf], val)
        return 0

    lax.fori_loop(0, _B // 16, chunk, 0)

    pltpu.sync_copy(lab_v, lab_hbm.at[pl.ds(base, _B)])
    pltpu.sync_copy(bb_v, bb_hbm.at[pl.ds(base, _B)])
    pltpu.sync_copy(sc_v, sc_hbm.at[pl.ds(base, _B)])


@functools.lru_cache(maxsize=1)
def _sc_calls():
    mesh = plsc.VectorSubcoreMesh(core_axis_name="c", subcore_axis_name="s")
    topk_call = pl.kernel(
        _topk_body,
        out_type=(
            jax.ShapeDtypeStruct((_G, 16), jnp.int32),
            jax.ShapeDtypeStruct((_G, 16), jnp.int32),
        ),
        mesh=mesh,
        compiler_params=pltpu.CompilerParams(needs_layout_passes=False),
        scratch_types=[
            pltpu.VMEM((_N,), jnp.float32),
            pltpu.VMEM((_N,), jnp.float32),
            pltpu.VMEM((_CANDCAP,), jnp.float32),
            pltpu.VMEM((_CANDCAP,), jnp.int32),
            pltpu.VMEM((16,), jnp.int32),
            pltpu.VMEM((16,), jnp.int32),
            pltpu.SemaphoreType.DMA,
            pltpu.SemaphoreType.DMA,
        ],
    )
    asm_call = pl.kernel(
        _asm_body,
        out_type=(
            jax.ShapeDtypeStruct((_N,), jnp.int32),
            jax.ShapeDtypeStruct((_N, 4), jnp.float32),
            jax.ShapeDtypeStruct((_N, _C + 1), jnp.float32),
        ),
        mesh=mesh,
        compiler_params=pltpu.CompilerParams(needs_layout_passes=False),
        scratch_types=[
            pltpu.VMEM((_G, 16), jnp.int32),
            pltpu.VMEM((_G, 16), jnp.int32),
            pltpu.VMEM((_G,), jnp.int32),
            pltpu.VMEM((4, _G), jnp.float32),
            pltpu.VMEM((_B, 4), jnp.float32),
            pltpu.VMEM((_B,), jnp.int32),
            pltpu.VMEM((_B,), jnp.int32),
            pltpu.VMEM((_B, 4), jnp.float32),
            pltpu.VMEM((_B, _C + 1), jnp.float32),
            pltpu.SemaphoreType.DMA,
        ],
    )
    return topk_call, asm_call


@jax.jit
def kernel(pred_scores, pred_bboxes, anchor_points, gt_labels, gt_bboxes):
    N, C = pred_scores.shape
    G = gt_labels.shape[0]

    cost = pl.pallas_call(
        _cost_body,
        out_shape=jax.ShapeDtypeStruct((G, N), jnp.float32),
        compiler_params=pltpu.CompilerParams(
            vmem_limit_bytes=100 * 1024 * 1024,
        ),
    )(pred_scores, pred_bboxes.T, anchor_points.T, gt_labels.reshape(1, G),
      gt_bboxes)

    topk_call, asm_call = _sc_calls()
    tk, kk = topk_call(cost)

    zs = jnp.zeros((_B, _C + 1), jnp.float32)
    lab, bb, sc = asm_call(tk, kk, pred_bboxes, gt_labels, gt_bboxes.T, zs)
    return lab, bb, sc

# --- scband reference (transcript-rebuilt; emitter-appended) ---
"""Pipeline reference for scband-dynamic-label-assignment-22522808500280 (READ-ONLY COPY).

The authoritative reference and input builder live on the scoring server;
editing this copy changes nothing except your own understanding.
"""

import jax, jax.numpy as jnp
import numpy as np

NUM_CLASSES = 80
RADIUS = 2.5
CAND_TOPK = 10
IOU_W = 3.0
CLS_W = 1.0


def setup_inputs(seed: int = 0) -> dict:
    key = jax.random.key(seed)
    k1, k2, k3, k4, k5, k6, k7 = jax.random.split(key, 7)
    N, G, C = 8400, 64, NUM_CLASSES
    pred_scores = jax.random.normal(k1, (N, C), dtype=jnp.float32)
    anchor_points = jax.random.uniform(k2, (N, 2), dtype=jnp.float32) * 640.0
    pc = jax.random.uniform(k3, (N, 2), dtype=jnp.float32) * 640.0
    pwh = jax.random.uniform(k4, (N, 2), dtype=jnp.float32) * 100.0 + 20.0
    pred_bboxes = jnp.concatenate([pc - pwh / 2, pc + pwh / 2], axis=1)
    gc = jax.random.uniform(k5, (G, 2), dtype=jnp.float32) * 640.0
    gwh = jax.random.uniform(k6, (G, 2), dtype=jnp.float32) * 140.0 + 20.0
    gt_bboxes = jnp.concatenate([gc - gwh / 2, gc + gwh / 2], axis=1)
    gt_labels = jax.random.randint(k7, (G,), 0, C, dtype=jnp.int32)
    return {"pred_scores": pred_scores, "pred_bboxes": pred_bboxes,
            "anchor_points": anchor_points, "gt_labels": gt_labels,
            "gt_bboxes": gt_bboxes}


def _inside_flags(anchor_points, gt_bboxes):
    ax = anchor_points[:, 0][None, :]
    ay = anchor_points[:, 1][None, :]
    gx1 = gt_bboxes[:, 0][:, None]
    gy1 = gt_bboxes[:, 1][:, None]
    gx2 = gt_bboxes[:, 2][:, None]
    gy2 = gt_bboxes[:, 3][:, None]
    in_gt = (ax >= gx1) & (ax <= gx2) & (ay >= gy1) & (ay <= gy2)
    cx = (gx1 + gx2) / 2
    cy = (gy1 + gy2) / 2
    rx = RADIUS * (gx2 - gx1)
    ry = RADIUS * (gy2 - gy1)
    in_center = (ax >= cx - rx) & (ax <= cx + rx) & (ay >= cy - ry) & (ay <= cy + ry)
    return in_gt & in_center


def _pairwise_iou(pred_bboxes, gt_bboxes, eps=1e-6):
    b1 = pred_bboxes[None, :, :]
    b2 = gt_bboxes[:, None, :]
    lt = jnp.maximum(b1[..., :2], b2[..., :2])
    rb = jnp.minimum(b1[..., 2:], b2[..., 2:])
    wh = jnp.clip(rb - lt, 0.0, None)
    overlap = wh[..., 0] * wh[..., 1]
    area1 = (b1[..., 2] - b1[..., 0]) * (b1[..., 3] - b1[..., 1])
    area2 = (b2[..., 2] - b2[..., 0]) * (b2[..., 3] - b2[..., 1])
    union = area1 + area2 - overlap + eps
    return overlap / union


def _simota(pred_scores, pred_bboxes, anchor_points, gt_labels, gt_bboxes):
    G = gt_bboxes.shape[0]
    N = pred_scores.shape[0]
    C = NUM_CLASSES
    inside = _inside_flags(anchor_points, gt_bboxes)  # [G, N] bool
    p = jax.nn.sigmoid(pred_scores)  # [N, C]
    onehot = jax.nn.one_hot(gt_labels, C, dtype=jnp.float32)  # [G, C]
    logp = jnp.clip(jnp.log(p), -100.0, None)
    log1mp = jnp.clip(jnp.log(1.0 - p), -100.0, None)
    bce = -(onehot[:, None, :] * logp[None, :, :]
            + (1.0 - onehot[:, None, :]) * log1mp[None, :, :])  # [G, N, C]
    cls_cost = bce.sum(-1)  # [G, N]
    ious = _pairwise_iou(pred_bboxes, gt_bboxes)  # [G, N]
    iou_cost = -jnp.log(ious)
    cost = CLS_W * cls_cost + IOU_W * iou_cost
    cost = cost + (~inside).astype(jnp.float32) * 1e10
    ious_in = ious * inside.astype(jnp.float32)
    num_cand = (ious_in > 0).sum(axis=1)
    dynamic_ks = jnp.clip(num_cand, 1, CAND_TOPK)
    assigned = jnp.full((N,), -1, dtype=jnp.int32)
    ar = jnp.arange(CAND_TOPK)
    for g in range(G):
        _, idx = jax.lax.top_k(-cost[g], CAND_TOPK)  # smallest costs
        keep = ar < dynamic_ks[g]
        assigned = assigned.at[idx].set(jnp.where(keep, g, assigned[idx]))
    pos = assigned >= 0
    agi = jnp.clip(assigned, 0, None)
    assigned_labels = jnp.where(pos, gt_labels[agi], C)
    assigned_bboxes = jnp.where(pos[:, None], gt_bboxes[agi], 0.0)
    iou_per_anchor = ious[agi, jnp.arange(N)]
    lab_per_anchor = gt_labels[agi]
    assigned_scores = jnp.zeros((N, C + 1), dtype=jnp.float32)
    assigned_scores = assigned_scores.at[jnp.arange(N), lab_per_anchor].set(
        jnp.where(pos, iou_per_anchor, 0.0))
    return assigned_labels, assigned_bboxes, assigned_scores


def reference(pred_scores, pred_bboxes, anchor_points, gt_labels, gt_bboxes):
    return _simota(pred_scores, pred_bboxes, anchor_points, gt_labels, gt_bboxes)

if __name__ == "__main__":
    import jax
    _d = setup_inputs()
    print(jax.jit(kernel)(*tuple(_d.values())))

</pallas_src>

<mosaic_0001>
#map = affine_map<(d0, d1) -> (0, 0)>
#map1 = affine_map<(d0, d1) -> (0)>
module attributes {stable_mosaic.version = 14 : i64} {
  func.func @_asm_body(%arg0: i32, %arg1: i32, %arg2: memref<64x16xi32, #tpu.memory_space<hbm>>, %arg3: memref<64x16xi32, #tpu.memory_space<hbm>>, %arg4: memref<8400x4xf32, #tpu.memory_space<hbm>>, %arg5: memref<64xi32, #tpu.memory_space<hbm>>, %arg6: memref<4x64xf32, #tpu.memory_space<hbm>>, %arg7: memref<272x81xf32, #tpu.memory_space<hbm>>, %arg8: memref<8400xi32, #tpu.memory_space<hbm>>, %arg9: memref<8400x4xf32, #tpu.memory_space<hbm>>, %arg10: memref<8400x81xf32, #tpu.memory_space<hbm>>, %arg11: memref<64x16xi32, #tpu.memory_space<vmem>>, %arg12: memref<64x16xi32, #tpu.memory_space<vmem>>, %arg13: memref<64xi32, #tpu.memory_space<vmem>>, %arg14: memref<4x64xf32, #tpu.memory_space<vmem>>, %arg15: memref<272x4xf32, #tpu.memory_space<vmem>>, %arg16: memref<272xi32, #tpu.memory_space<vmem>>, %arg17: memref<272xi32, #tpu.memory_space<vmem>>, %arg18: memref<272x4xf32, #tpu.memory_space<vmem>>, %arg19: memref<272x81xf32, #tpu.memory_space<vmem>>, %arg20: memref<!tpu.dma_semaphore, #tpu.memory_space<semaphore_mem>>) attributes {dimension_semantics = [#tpu.dimension_semantics<core_parallel>, #tpu.dimension_semantics<subcore_parallel>], iteration_bounds = array<i64: 2, 16>, scalar_prefetch = 0 : i64, scratch_operands = 10 : i64, tpu.core_type = #tpu.core_type<sc_vector_subcore>, window_params = [{transform_indices = #map}, {transform_indices = #map}, {transform_indices = #map}, {transform_indices = #map1}, {transform_indices = #map}, {transform_indices = #map}, {transform_indices = #map1}, {transform_indices = #map}, {transform_indices = #map}]} {
    %mul3A = arith.constant 2 : i32
    %mul3A_0 = arith.muli %arg1, %mul3A : i32
    %add3A = arith.addi %mul3A_0, %arg0 : i32
    %mul3A_1 = arith.constant 272 : i32
    %mul3A_2 = arith.muli %add3A, %mul3A_1 : i32
    %min3A = arith.constant 8128 : i32
    %min3A_3 = arith.minsi %mul3A_2, %min3A : i32
    %iota3A = tpu.iota {dimensions = array<i32: 0>} : vector<16xi32>
    %broadcast_in_dim3A = arith.constant 0 : i32
    %broadcast_in_dim3A_4 = vector.broadcast %broadcast_in_dim3A : i32 to vector<16xi32>
    tpu.enqueue_dma source(%arg7 : memref<272x81xf32, #tpu.memory_space<hbm>>) target(%arg19 : memref<272x81xf32, #tpu.memory_space<vmem>>) target_semaphore(%arg20 : memref<!tpu.dma_semaphore, #tpu.memory_space<semaphore_mem>>)
    "tpu.region"() ({
      %run_scoped3A = tpu.sem_alloc : memref<!tpu.dma_semaphore, #tpu.memory_space<semaphore_mem>>
      tpu.enqueue_dma source(%arg2 : memref<64x16xi32, #tpu.memory_space<hbm>>) target(%arg11 : memref<64x16xi32, #tpu.memory_space<vmem>>) target_semaphore(%run_scoped3A : memref<!tpu.dma_semaphore, #tpu.memory_space<semaphore_mem>>)
      tpu.wait_dma2 semaphore(%run_scoped3A : memref<!tpu.dma_semaphore, #tpu.memory_space<semaphore_mem>>) src(%arg2 : memref<64x16xi32, #tpu.memory_space<hbm>>) dst(%arg11 : memref<64x16xi32, #tpu.memory_space<vmem>>)
      tpu.yield
    }) : () -> ()
    "tpu.region"() ({
      %run_scoped3A = tpu.sem_alloc : memref<!tpu.dma_semaphore, #tpu.memory_space<semaphore_mem>>
      tpu.enqueue_dma source(%arg3 : memref<64x16xi32, #tpu.memory_space<hbm>>) target(%arg12 : memref<64x16xi32, #tpu.memory_space<vmem>>) target_semaphore(%run_scoped3A : memref<!tpu.dma_semaphore, #tpu.memory_space<semaphore_mem>>)
      tpu.wait_dma2 semaphore(%run_scoped3A : memref<!tpu.dma_semaphore, #tpu.memory_space<semaphore_mem>>) src(%arg3 : memref<64x16xi32, #tpu.memory_space<hbm>>) dst(%arg12 : memref<64x16xi32, #tpu.memory_space<vmem>>)
      tpu.yield
    }) : () -> ()
    "tpu.region"() ({
      %run_scoped3A = tpu.sem_alloc : memref<!tpu.dma_semaphore, #tpu.memory_space<semaphore_mem>>
      tpu.enqueue_dma source(%arg5 : memref<64xi32, #tpu.memory_space<hbm>>) target(%arg13 : memref<64xi32, #tpu.memory_space<vmem>>) target_semaphore(%run_scoped3A : memref<!tpu.dma_semaphore, #tpu.memory_space<semaphore_mem>>)
      tpu.wait_dma2 semaphore(%run_scoped3A : memref<!tpu.dma_semaphore, #tpu.memory_space<semaphore_mem>>) src(%arg5 : memref<64xi32, #tpu.memory_space<hbm>>) dst(%arg13 : memref<64xi32, #tpu.memory_space<vmem>>)
      tpu.yield
    }) : () -> ()
    "tpu.region"() ({
      %run_scoped3A = tpu.sem_alloc : memref<!tpu.dma_semaphore, #tpu.memory_space<semaphore_mem>>
      tpu.enqueue_dma source(%arg6 : memref<4x64xf32, #tpu.memory_space<hbm>>) target(%arg14 : memref<4x64xf32, #tpu.memory_space<vmem>>) target_semaphore(%run_scoped3A : memref<!tpu.dma_semaphore, #tpu.memory_space<semaphore_mem>>)
      tpu.wait_dma2 semaphore(%run_scoped3A : memref<!tpu.dma_semaphore, #tpu.memory_space<semaphore_mem>>) src(%arg6 : memref<4x64xf32, #tpu.memory_space<hbm>>) dst(%arg14 : memref<4x64xf32, #tpu.memory_space<vmem>>)
      tpu.yield
    }) : () -> ()
    "tpu.region"() ({
      %run_scoped3A = tpu.sem_alloc : memref<!tpu.dma_semaphore, #tpu.memory_space<semaphore_mem>>
      %dma_start3A = arith.constant 0 : i32
      %dma_start3A_85 = tpu.memref_slice %arg4[%min3A_3, %dma_start3A] : memref<8400x4xf32, #tpu.memory_space<hbm>> -> memref<272x4xf32, #tpu.memory_space<hbm>>
      %dma_start3A_86 = arith.constant 0 : i32
      %dma_start3A_87 = tpu.memref_slice %arg4[%min3A_3, %dma_start3A_86] : memref<8400x4xf32, #tpu.memory_space<hbm>> -> memref<272x4xf32, #tpu.memory_space<hbm>>
      tpu.enqueue_dma source(%dma_start3A_87 : memref<272x4xf32, #tpu.memory_space<hbm>>) target(%arg15 : memref<272x4xf32, #tpu.memory_space<vmem>>) target_semaphore(%run_scoped3A : memref<!tpu.dma_semaphore, #tpu.memory_space<semaphore_mem>>)
      %dma_wait3A = arith.constant 0 : i32
      %dma_wait3A_88 = tpu.memref_slice %arg4[%min3A_3, %dma_wait3A] : memref<8400x4xf32, #tpu.memory_space<hbm>> -> memref<272x4xf32, #tpu.memory_space<hbm>>
      %dma_wait3A_89 = arith.constant 0 : i32
      %dma_wait3A_90 = tpu.memref_slice %arg4[%min3A_3, %dma_wait3A_89] : memref<8400x4xf32, #tpu.memory_space<hbm>> -> memref<272x4xf32, #tpu.memory_space<hbm>>
      tpu.wait_dma2 semaphore(%run_scoped3A : memref<!tpu.dma_semaphore, #tpu.memory_space<semaphore_mem>>) src(%dma_wait3A_90 : memref<272x4xf32, #tpu.memory_space<hbm>>) dst(%arg15 : memref<272x4xf32, #tpu.memory_space<vmem>>)
      tpu.yield
    }) : () -> ()
    %broadcast_in_dim3A_5 = arith.constant -1 : i32
    %broadcast_in_dim3A_6 = vector.broadcast %broadcast_in_dim3A_5 : i32 to vector<16xi32>
    %swap3A = arith.constant 0 : index
    %swap3A_7 = tpu.vector_load %arg16[%swap3A] {strides = array<i32>} : memref<272xi32, #tpu.memory_space<vmem>>, vector<16xi32>,
    tpu.vector_store %arg16[%swap3A], %broadcast_in_dim3A_6 {strides = array<i32>} : memref<272xi32, #tpu.memory_space<vmem>>, vector<16xi32>,
    %broadcast_in_dim3A_8 = arith.constant -1 : i32
    %broadcast_in_dim3A_9 = vector.broadcast %broadcast_in_dim3A_8 : i32 to vector<16xi32>
    %swap3A_10 = arith.constant 16 : index
    %swap3A_11 = tpu.vector_load %arg16[%swap3A_10] {strides = array<i32>} : memref<272xi32, #tpu.memory_space<vmem>>, vector<16xi32>,
    tpu.vector_store %arg16[%swap3A_10], %broadcast_in_dim3A_9 {strides = array<i32>} : memref<272xi32, #tpu.memory_space<vmem>>, vector<16xi32>,
    %broadcast_in_dim3A_12 = arith.constant -1 : i32
    %broadcast_in_dim3A_13 = vector.broadcast %broadcast_in_dim3A_12 : i32 to vector<16xi32>
    %swap3A_14 = arith.constant 32 : index
    %swap3A_15 = tpu.vector_load %arg16[%swap3A_14] {strides = array<i32>} : memref<272xi32, #tpu.memory_space<vmem>>, vector<16xi32>,
    tpu.vector_store %arg16[%swap3A_14], %broadcast_in_dim3A_13 {strides = array<i32>} : memref<272xi32, #tpu.memory_space<vmem>>, vector<16xi32>,
    %broadcast_in_dim3A_16 = arith.constant -1 : i32
    %broadcast_in_dim3A_17 = vector.broadcast %broadcast_in_dim3A_16 : i32 to vector<16xi32>
    %swap3A_18 = arith.constant 48 : index
    %swap3A_19 = tpu.vector_load %arg16[%swap3A_18] {strides = array<i32>} : memref<272xi32, #tpu.memory_space<vmem>>, vector<16xi32>,
    tpu.vector_store %arg16[%swap3A_18], %broadcast_in_dim3A_17 {strides = array<i32>} : memref<272xi32, #tpu.memory_space<vmem>>, vector<16xi32>,
    %broadcast_in_dim3A_20 = arith.constant -1 : i32
    %broadcast_in_dim3A_21 = vector.broadcast %broadcast_in_dim3A_20 : i32 to vector<16xi32>
    %swap3A_22 = arith.constant 64 : index
    %swap3A_23 = tpu.vector_load %arg16[%swap3A_22] {strides = array<i32>} : memref<272xi32, #tpu.memory_space<vmem>>, vector<16xi32>,
    tpu.vector_store %arg16[%swap3A_22], %broadcast_in_dim3A_21 {strides = array<i32>} : memref<272xi32, #tpu.memory_space<vmem>>, vector<16xi32>,
    %broadcast_in_dim3A_24 = arith.constant -1 : i32
    %broadcast_in_dim3A_25 = vector.broadcast %broadcast_in_dim3A_24 : i32 to vector<16xi32>
    %swap3A_26 = arith.constant 80 : index
    %swap3A_27 = tpu.vector_load %arg16[%swap3A_26] {strides = array<i32>} : memref<272xi32, #tpu.memory_space<vmem>>, vector<16xi32>,
    tpu.vector_store %arg16[%swap3A_26], %broadcast_in_dim3A_25 {strides = array<i32>} : memref<272xi32, #tpu.memory_space<vmem>>, vector<16xi32>,
    %broadcast_in_dim3A_28 = arith.constant -1 : i32
    %broadcast_in_dim3A_29 = vector.broadcast %broadcast_in_dim3A_28 : i32 to vector<16xi32>
    %swap3A_30 = arith.constant 96 : index
    %swap3A_31 = tpu.vector_load %arg16[%swap3A_30] {strides = array<i32>} : memref<272xi32, #tpu.memory_space<vmem>>, vector<16xi32>,
    tpu.vector_store %arg16[%swap3A_30], %broadcast_in_dim3A_29 {strides = array<i32>} : memref<272xi32, #tpu.memory_space<vmem>>, vector<16xi32>,
    %broadcast_in_dim3A_32 = arith.constant -1 : i32
    %broadcast_in_dim3A_33 = vector.broadcast %broadcast_in_dim3A_32 : i32 to vector<16xi32>
    %swap3A_34 = arith.constant 112 : index
    %swap3A_35 = tpu.vector_load %arg16[%swap3A_34] {strides = array<i32>} : memref<272xi32, #tpu.memory_space<vmem>>, vector<16xi32>,
    tpu.vector_store %arg16[%swap3A_34], %broadcast_in_dim3A_33 {strides = array<i32>} : memref<272xi32, #tpu.memory_space<vmem>>, vector<16xi32>,
    %broadcast_in_dim3A_36 = arith.constant -1 : i32
    %broadcast_in_dim3A_37 = vector.broadcast %broadcast_in_dim3A_36 : i32 to vector<16xi32>
    %swap3A_38 = arith.constant 128 : index
    %swap3A_39 = tpu.vector_load %arg16[%swap3A_38] {strides = array<i32>} : memref<272xi32, #tpu.memory_space<vmem>>, vector<16xi32>,
    tpu.vector_store %arg16[%swap3A_38], %broadcast_in_dim3A_37 {strides = array<i32>} : memref<272xi32, #tpu.memory_space<vmem>>, vector<16xi32>,
    %broadcast_in_dim3A_40 = arith.constant -1 : i32
    %broadcast_in_dim3A_41 = vector.broadcast %broadcast_in_dim3A_40 : i32 to vector<16xi32>
    %swap3A_42 = arith.constant 144 : index
    %swap3A_43 = tpu.vector_load %arg16[%swap3A_42] {strides = array<i32>} : memref<272xi32, #tpu.memory_space<vmem>>, vector<16xi32>,
    tpu.vector_store %arg16[%swap3A_42], %broadcast_in_dim3A_41 {strides = array<i32>} : memref<272xi32, #tpu.memory_space<vmem>>, vector<16xi32>,
    %broadcast_in_dim3A_44 = arith.constant -1 : i32
    %broadcast_in_dim3A_45 = vector.broadcast %broadcast_in_dim3A_44 : i32 to vector<16xi32>
    %swap3A_46 = arith.constant 160 : index
    %swap3A_47 = tpu.vector_load %arg16[%swap3A_46] {strides = array<i32>} : memref<272xi32, #tpu.memory_space<vmem>>, vector<16xi32>,
    tpu.vector_store %arg16[%swap3A_46], %broadcast_in_dim3A_45 {strides = array<i32>} : memref<272xi32, #tpu.memory_space<vmem>>, vector<16xi32>,
    %broadcast_in_dim3A_48 = arith.constant -1 : i32
    %broadcast_in_dim3A_49 = vector.broadcast %broadcast_in_dim3A_48 : i32 to vector<16xi32>
    %swap3A_50 = arith.constant 176 : index
    %swap3A_51 = tpu.vector_load %arg16[%swap3A_50] {strides = array<i32>} : memref<272xi32, #tpu.memory_space<vmem>>, vector<16xi32>,
    tpu.vector_store %arg16[%swap3A_50], %broadcast_in_dim3A_49 {strides = array<i32>} : memref<272xi32, #tpu.memory_space<vmem>>, vector<16xi32>,
    %broadcast_in_dim3A_52 = arith.constant -1 : i32
    %broadcast_in_dim3A_53 = vector.broadcast %broadcast_in_dim3A_52 : i32 to vector<16xi32>
    %swap3A_54 = arith.constant 192 : index
    %swap3A_55 = tpu.vector_load %arg16[%swap3A_54] {strides = array<i32>} : memref<272xi32, #tpu.memory_space<vmem>>, vector<16xi32>,
    tpu.vector_store %arg16[%swap3A_54], %broadcast_in_dim3A_53 {strides = array<i32>} : memref<272xi32, #tpu.memory_space<vmem>>, vector<16xi32>,
    %broadcast_in_dim3A_56 = arith.constant -1 : i32
    %broadcast_in_dim3A_57 = vector.broadcast %broadcast_in_dim3A_56 : i32 to vector<16xi32>
    %swap3A_58 = arith.constant 208 : index
    %swap3A_59 = tpu.vector_load %arg16[%swap3A_58] {strides = array<i32>} : memref<272xi32, #tpu.memory_space<vmem>>, vector<16xi32>,
    tpu.vector_store %arg16[%swap3A_58], %broadcast_in_dim3A_57 {strides = array<i32>} : memref<272xi32, #tpu.memory_space<vmem>>, vector<16xi32>,
    %broadcast_in_dim3A_60 = arith.constant -1 : i32
    %broadcast_in_dim3A_61 = vector.broadcast %broadcast_in_dim3A_60 : i32 to vector<16xi32>
    %swap3A_62 = arith.constant 224 : index
    %swap3A_63 = tpu.vector_load %arg16[%swap3A_62] {strides = array<i32>} : memref<272xi32, #tpu.memory_space<vmem>>, vector<16xi32>,
    tpu.vector_store %arg16[%swap3A_62], %broadcast_in_dim3A_61 {strides = array<i32>} : memref<272xi32, #tpu.memory_space<vmem>>, vector<16xi32>,
    %broadcast_in_dim3A_64 = arith.constant -1 : i32
    %broadcast_in_dim3A_65 = vector.broadcast %broadcast_in_dim3A_64 : i32 to vector<16xi32>
    %swap3A_66 = arith.constant 240 : index
    %swap3A_67 = tpu.vector_load %arg16[%swap3A_66] {strides = array<i32>} : memref<272xi32, #tpu.memory_space<vmem>>, vector<16xi32>,
    tpu.vector_store %arg16[%swap3A_66], %broadcast_in_dim3A_65 {strides = array<i32>} : memref<272xi32, #tpu.memory_space<vmem>>, vector<16xi32>,
    %broadcast_in_dim3A_68 = arith.constant -1 : i32
    %broadcast_in_dim3A_69 = vector.broadcast %broadcast_in_dim3A_68 : i32 to vector<16xi32>
    %swap3A_70 = arith.constant 256 : index
    %swap3A_71 = tpu.vector_load %arg16[%swap3A_70] {strides = array<i32>} : memref<272xi32, #tpu.memory_space<vmem>>, vector<16xi32>,
    tpu.vector_store %arg16[%swap3A_70], %broadcast_in_dim3A_69 {strides = array<i32>} : memref<272xi32, #tpu.memory_space<vmem>>, vector<16xi32>,
    %scan3A = arith.constant 0 : i32
    %scan3A_72 = arith.constant 0 : i32
    %scan3A_73 = arith.constant 64 : i32
    %scan3A_74 = arith.addi %scan3A_72, %scan3A_73 : i32
    %scan3A_75 = arith.constant 1 : i32
    %scan3A_76 = scf.for %scan3A_85 = %scan3A_72 to %scan3A_74 step %scan3A_75 iter_args(%scan3A_86 = %scan3A) -> (i32)  : i32 {
      %get3A = arith.index_cast %scan3A_85 : i32 to index
      %get3A_87 = arith.constant 0 : index
      %get3A_88 = tpu.vector_load %arg11[%get3A, %get3A_87] {strides = array<i32>} : memref<64x16xi32, #tpu.memory_space<vmem>>, vector<16xi32>,
      %get3A_89 = arith.index_cast %scan3A_85 : i32 to index
      %get3A_90 = arith.constant 0 : index
      %get3A_91 = tpu.vector_load %arg12[%get3A_89, %get3A_90] {strides = array<i32>} : memref<64x16xi32, #tpu.memory_space<vmem>>, vector<16xi32>,
      %slice3A = vector.extract_strided_slice %get3A_91 {offsets = [0], sizes = [1], strides = [1]} : vector<16xi32> to vector<1xi32>
      %squeeze3A = vector.extract %slice3A[0] : i32 from vector<1xi32>
      %sub3A = vector.broadcast %min3A_3 : i32 to vector<16xi32>
      %sub3A_92 = arith.subi %get3A_88, %sub3A : vector<16xi32>
      %ge3A = arith.constant 0 : i32
      %ge3A_93 = vector.broadcast %ge3A : i32 to vector<16xi32>
      %ge3A_94 = arith.cmpi sge, %sub3A_92, %ge3A_93 : vector<16xi32>
      %lt3A = arith.constant 272 : i32
      %lt3A_95 = vector.broadcast %lt3A : i32 to vector<16xi32>
      %lt3A_96 = arith.cmpi slt, %sub3A_92, %lt3A_95 : vector<16xi32>
      %and3A = arith.andi %ge3A_94, %lt3A_96 : vector<16xi1>
      %lt3A_97 = vector.broadcast %squeeze3A : i32 to vector<16xi32>
      %lt3A_98 = arith.cmpi slt, %iota3A, %lt3A_97 : vector<16xi32>
      %and3A_99 = arith.andi %and3A, %lt3A_98 : vector<16xi1>
      %jit3A = arith.constant 0 : i32
      %jit3A_100 = arith.constant 271 : i32
      %max3A = vector.broadcast %jit3A : i32 to vector<16xi32>
      %max3A_101 = arith.maxsi %max3A, %sub3A_92 : vector<16xi32>
      %min3A_102 = vector.broadcast %jit3A_100 : i32 to vector<16xi32>
      %min3A_103 = arith.minsi %min3A_102, %max3A_101 : vector<16xi32>
      %add3A_104 = vector.broadcast %scan3A_85 : i32 to vector<16xi32>
      %add3A_105 = arith.addi %broadcast_in_dim3A_4, %add3A_104 : vector<16xi32>
      tpu.vector_store_idx %arg16[%min3A_103], %add3A_105 masked %and3A_99 : memref<272xi32, #tpu.memory_space<vmem>>[vector<16xi32>], vector<16xi32>, vector<16xi1>
      %scan3A_106 = arith.constant 0 : i32
      scf.yield %scan3A_106 : i32
    }
    %scan3A_77 = arith.constant 64 : i32
    tpu.wait_dma2 semaphore(%arg20 : memref<!tpu.dma_semaphore, #tpu.memory_space<semaphore_mem>>) src(%arg7 : memref<272x81xf32, #tpu.memory_space<hbm>>) dst(%arg19 : memref<272x81xf32, #tpu.memory_space<vmem>>)
    %scan3A_78 = arith.constant 0 : i32
    %scan3A_79 = arith.constant 0 : i32
    %scan3A_80 = arith.constant 17 : i32
    %scan3A_81 = arith.addi %scan3A_79, %scan3A_80 : i32
    %scan3A_82 = arith.constant 1 : i32
    %scan3A_83 = scf.for %scan3A_85 = %scan3A_79 to %scan3A_81 step %scan3A_82 iter_args(%scan3A_86 = %scan3A_78) -> (i32)  : i32 {
      %mul3A_87 = arith.constant 16 : i32
      %mul3A_88 = arith.muli %scan3A_85, %mul3A_87 : i32
      %add3A_89 = vector.broadcast %mul3A_88 : i32 to vector<16xi32>
      %add3A_90 = arith.addi %add3A_89, %iota3A : vector<16xi32>
      %mul3A_91 = arith.constant 16 : i32
      %mul3A_92 = arith.muli %scan3A_85, %mul3A_91 : i32
      %get3A = arith.index_cast %mul3A_92 : i32 to index
      %get3A_93 = tpu.vector_load %arg16[%get3A] {strides = array<i32>} : memref<272xi32, #tpu.memory_space<vmem>>, vector<16xi32>,
      %ge3A = arith.constant 0 : i32
      %ge3A_94 = vector.broadcast %ge3A : i32 to vector<16xi32>
      %ge3A_95 = arith.cmpi sge, %get3A_93, %ge3A_94 : vector<16xi32>
      %max3A = arith.constant 0 : i32
      %max3A_96 = vector.broadcast %max3A : i32 to vector<16xi32>
      %max3A_97 = arith.maxsi %get3A_93, %max3A_96 : vector<16xi32>
      %gather3A = tpu.vector_load_idx %arg13[%max3A_97] : memref<64xi32, #tpu.memory_space<vmem>>[vector<16xi32>], vector<16xi32>,
      %jit3A = arith.constant 80 : i32
      %broadcast_in_dim3A_98 = vector.broadcast %jit3A : i32 to vector<16xi32>
      %select_n3A = arith.select %ge3A_95, %gather3A, %broadcast_in_dim3A_98 : vector<16xi1>, vector<16xi32>
      %mul3A_99 = arith.constant 16 : i32
      %mul3A_100 = arith.muli %scan3A_85, %mul3A_99 : i32
      %swap3A_101 = arith.index_cast %mul3A_100 : i32 to index
      %swap3A_102 = tpu.vector_load %arg17[%swap3A_101] {strides = array<i32>} : memref<272xi32, #tpu.memory_space<vmem>>, vector<16xi32>,
      tpu.vector_store %arg17[%swap3A_101], %select_n3A {strides = array<i32>} : memref<272xi32, #tpu.memory_space<vmem>>, vector<16xi32>,
      %gather3A_103 = tpu.vector_load_idx %arg15[%add3A_90, %broadcast_in_dim3A_4] : memref<272x4xf32, #tpu.memory_space<vmem>>[vector<16xi32>, vector<16xi32>], vector<16xf32>,
      %add3A_104 = arith.constant 1 : i32
      %add3A_105 = vector.broadcast %add3A_104 : i32 to vector<16xi32>
      %add3A_106 = arith.addi %broadcast_in_dim3A_4, %add3A_105 : vector<16xi32>
      %gather3A_107 = tpu.vector_load_idx %arg15[%add3A_90, %add3A_106] : memref<272x4xf32, #tpu.memory_space<vmem>>[vector<16xi32>, vector<16xi32>], vector<16xf32>,
      %add3A_108 = arith.constant 2 : i32
      %add3A_109 = vector.broadcast %add3A_108 : i32 to vector<16xi32>
      %add3A_110 = arith.addi %broadcast_in_dim3A_4, %add3A_109 : vector<16xi32>
      %gather3A_111 = tpu.vector_load_idx %arg15[%add3A_90, %add3A_110] : memref<272x4xf32, #tpu.memory_space<vmem>>[vector<16xi32>, vector<16xi32>], vector<16xf32>,
      %add3A_112 = arith.constant 3 : i32
      %add3A_113 = vector.broadcast %add3A_112 : i32 to vector<16xi32>
      %add3A_114 = arith.addi %broadcast_in_dim3A_4, %add3A_113 : vector<16xi32>
      %gather3A_115 = tpu.vector_load_idx %arg15[%add3A_90, %add3A_114] : memref<272x4xf32, #tpu.memory_space<vmem>>[vector<16xi32>, vector<16xi32>], vector<16xf32>,
      %gather3A_116 = tpu.vector_load_idx %arg14[%broadcast_in_dim3A_4, %max3A_97] : memref<4x64xf32, #tpu.memory_space<vmem>>[vector<16xi32>, vector<16xi32>], vector<16xf32>,
      %add3A_117 = arith.constant 1 : i32
      %add3A_118 = vector.broadcast %add3A_117 : i32 to vector<16xi32>
      %add3A_119 = arith.addi %broadcast_in_dim3A_4, %add3A_118 : vector<16xi32>
      %gather3A_120 = tpu.vector_load_idx %arg14[%add3A_119, %max3A_97] : memref<4x64xf32, #tpu.memory_space<vmem>>[vector<16xi32>, vector<16xi32>], vector<16xf32>,
      %add3A_121 = arith.constant 2 : i32
      %add3A_122 = vector.broadcast %add3A_121 : i32 to vector<16xi32>
      %add3A_123 = arith.addi %broadcast_in_dim3A_4, %add3A_122 : vector<16xi32>
      %gather3A_124 = tpu.vector_load_idx %arg14[%add3A_123, %max3A_97] : memref<4x64xf32, #tpu.memory_space<vmem>>[vector<16xi32>, vector<16xi32>], vector<16xf32>,
      %add3A_125 = arith.constant 3 : i32
      %add3A_126 = vector.broadcast %add3A_125 : i32 to vector<16xi32>
      %add3A_127 = arith.addi %broadcast_in_dim3A_4, %add3A_126 : vector<16xi32>
      %gather3A_128 = tpu.vector_load_idx %arg14[%add3A_127, %max3A_97] : memref<4x64xf32, #tpu.memory_space<vmem>>[vector<16xi32>, vector<16xi32>], vector<16xf32>,
      %max3A_129 = arith.maximumf %gather3A_103, %gather3A_116 : vector<16xf32>
      %max3A_130 = arith.maximumf %gather3A_107, %gather3A_120 : vector<16xf32>
      %min3A_131 = arith.minimumf %gather3A_111, %gather3A_124 : vector<16xf32>
      %min3A_132 = arith.minimumf %gather3A_115, %gather3A_128 : vector<16xf32>
      %sub3A = arith.subf %min3A_131, %max3A_129 : vector<16xf32>
      %max3A_133 = arith.constant 0.000000e+00 : f32
      %max3A_134 = vector.broadcast %max3A_133 : f32 to vector<16xf32>
      %max3A_135 = arith.maximumf %sub3A, %max3A_134 : vector<16xf32>
      %sub3A_136 = arith.subf %min3A_132, %max3A_130 : vector<16xf32>
      %max3A_137 = arith.constant 0.000000e+00 : f32
      %max3A_138 = vector.broadcast %max3A_137 : f32 to vector<16xf32>
      %max3A_139 = arith.maximumf %sub3A_136, %max3A_138 : vector<16xf32>
      %mul3A_140 = arith.mulf %max3A_135, %max3A_139 : vector<16xf32>
      %sub3A_141 = arith.subf %gather3A_111, %gather3A_103 : vector<16xf32>
      %sub3A_142 = arith.subf %gather3A_115, %gather3A_107 : vector<16xf32>
      %mul3A_143 = arith.mulf %sub3A_141, %sub3A_142 : vector<16xf32>
      %sub3A_144 = arith.subf %gather3A_124, %gather3A_116 : vector<16xf32>
      %sub3A_145 = arith.subf %gather3A_128, %gather3A_120 : vector<16xf32>
      %mul3A_146 = arith.mulf %sub3A_144, %sub3A_145 : vector<16xf32>
      %add3A_147 = arith.addf %mul3A_143, %mul3A_146 : vector<16xf32>
      %sub3A_148 = arith.subf %add3A_147, %mul3A_140 : vector<16xf32>
      %add3A_149 = arith.constant 9.99999997E-7 : f32
      %add3A_150 = vector.broadcast %add3A_149 : f32 to vector<16xf32>
      %add3A_151 = arith.addf %sub3A_148, %add3A_150 : vector<16xf32>
      %div3A = arith.divf %mul3A_140, %add3A_151 : vector<16xf32>
      %jit3A_152 = arith.constant 0.000000e+00 : f32
      %broadcast_in_dim3A_153 = vector.broadcast %jit3A_152 : f32 to vector<16xf32>
      %select_n3A_154 = arith.select %ge3A_95, %div3A, %broadcast_in_dim3A_153 : vector<16xi1>, vector<16xf32>
      %broadcast_in_dim3A_155 = arith.constant 0.000000e+00 : f32
      %broadcast_in_dim3A_156 = vector.broadcast %broadcast_in_dim3A_155 : f32 to vector<16xf32>
      %select_n3A_157 = arith.select %ge3A_95, %gather3A_116, %broadcast_in_dim3A_156 : vector<16xi1>, vector<16xf32>
      tpu.vector_store_idx %arg18[%add3A_90, %broadcast_in_dim3A_4], %select_n3A_157 : memref<272x4xf32, #tpu.memory_space<vmem>>[vector<16xi32>, vector<16xi32>], vector<16xf32>,
      %add3A_158 = arith.constant 1 : i32
      %add3A_159 = vector.broadcast %add3A_158 : i32 to vector<16xi32>
      %add3A_160 = arith.addi %broadcast_in_dim3A_4, %add3A_159 : vector<16xi32>
      %select_n3A_161 = arith.select %ge3A_95, %gather3A_120, %broadcast_in_dim3A_156 : vector<16xi1>, vector<16xf32>
      tpu.vector_store_idx %arg18[%add3A_90, %add3A_160], %select_n3A_161 : memref<272x4xf32, #tpu.memory_space<vmem>>[vector<16xi32>, vector<16xi32>], vector<16xf32>,
      %add3A_162 = arith.constant 2 : i32
      %add3A_163 = vector.broadcast %add3A_162 : i32 to vector<16xi32>
      %add3A_164 = arith.addi %broadcast_in_dim3A_4, %add3A_163 : vector<16xi32>
      %select_n3A_165 = arith.select %ge3A_95, %gather3A_124, %broadcast_in_dim3A_156 : vector<16xi1>, vector<16xf32>
      tpu.vector_store_idx %arg18[%add3A_90, %add3A_164], %select_n3A_165 : memref<272x4xf32, #tpu.memory_space<vmem>>[vector<16xi32>, vector<16xi32>], vector<16xf32>,
      %add3A_166 = arith.constant 3 : i32
      %add3A_167 = vector.broadcast %add3A_166 : i32 to vector<16xi32>
      %add3A_168 = arith.addi %broadcast_in_dim3A_4, %add3A_167 : vector<16xi32>
      %select_n3A_169 = arith.select %ge3A_95, %gather3A_128, %broadcast_in_dim3A_156 : vector<16xi1>, vector<16xf32>
      tpu.vector_store_idx %arg18[%add3A_90, %add3A_168], %select_n3A_169 : memref<272x4xf32, #tpu.memory_space<vmem>>[vector<16xi32>, vector<16xi32>], vector<16xf32>,
      tpu.vector_store_idx %arg19[%add3A_90, %select_n3A], %select_n3A_154 : memref<272x81xf32, #tpu.memory_space<vmem>>[vector<16xi32>, vector<16xi32>], vector<16xf32>,
      %scan3A_170 = arith.constant 0 : i32
      scf.yield %scan3A_170 : i32
    }
    %scan3A_84 = arith.constant 17 : i32
    "tpu.region"() ({
      %run_scoped3A = tpu.sem_alloc : memref<!tpu.dma_semaphore, #tpu.memory_space<semaphore_mem>>
      %dma_start3A = tpu.memref_slice %arg8[%min3A_3] : memref<8400xi32, #tpu.memory_space<hbm>> -> memref<272xi32, #tpu.memory_space<hbm>>
      %dma_start3A_85 = tpu.memref_slice %arg8[%min3A_3] : memref<8400xi32, #tpu.memory_space<hbm>> -> memref<272xi32, #tpu.memory_space<hbm>>
      tpu.enqueue_dma source(%arg17 : memref<272xi32, #tpu.memory_space<vmem>>) target(%dma_start3A_85 : memref<272xi32, #tpu.memory_space<hbm>>) target_semaphore(%run_scoped3A : memref<!tpu.dma_semaphore, #tpu.memory_space<semaphore_mem>>)
      %dma_wait3A = tpu.memref_slice %arg8[%min3A_3] : memref<8400xi32, #tpu.memory_space<hbm>> -> memref<272xi32, #tpu.memory_space<hbm>>
      %dma_wait3A_86 = tpu.memref_slice %arg8[%min3A_3] : memref<8400xi32, #tpu.memory_space<hbm>> -> memref<272xi32, #tpu.memory_space<hbm>>
      tpu.wait_dma2 semaphore(%run_scoped3A : memref<!tpu.dma_semaphore, #tpu.memory_space<semaphore_mem>>) src(%arg17 : memref<272xi32, #tpu.memory_space<vmem>>) dst(%dma_wait3A_86 : memref<272xi32, #tpu.memory_space<hbm>>)
      tpu.yield
    }) : () -> ()
    "tpu.region"() ({
      %run_scoped3A = tpu.sem_alloc : memref<!tpu.dma_semaphore, #tpu.memory_space<semaphore_mem>>
      %dma_start3A = arith.constant 0 : i32
      %dma_start3A_85 = tpu.memref_slice %arg9[%min3A_3, %dma_start3A] : memref<8400x4xf32, #tpu.memory_space<hbm>> -> memref<272x4xf32, #tpu.memory_space<hbm>>
      %dma_start3A_86 = arith.constant 0 : i32
      %dma_start3A_87 = tpu.memref_slice %arg9[%min3A_3, %dma_start3A_86] : memref<8400x4xf32, #tpu.memory_space<hbm>> -> memref<272x4xf32, #tpu.memory_space<hbm>>
      tpu.enqueue_dma source(%arg18 : memref<272x4xf32, #tpu.memory_space<vmem>>) target(%dma_start3A_87 : memref<272x4xf32, #tpu.memory_space<hbm>>) target_semaphore(%run_scoped3A : memref<!tpu.dma_semaphore, #tpu.memory_space<semaphore_mem>>)
      %dma_wait3A = arith.constant 0 : i32
      %dma_wait3A_88 = tpu.memref_slice %arg9[%min3A_3, %dma_wait3A] : memref<8400x4xf32, #tpu.memory_space<hbm>> -> memref<272x4xf32, #tpu.memory_space<hbm>>
      %dma_wait3A_89 = arith.constant 0 : i32
      %dma_wait3A_90 = tpu.memref_slice %arg9[%min3A_3, %dma_wait3A_89] : memref<8400x4xf32, #tpu.memory_space<hbm>> -> memref<272x4xf32, #tpu.memory_space<hbm>>
      tpu.wait_dma2 semaphore(%run_scoped3A : memref<!tpu.dma_semaphore, #tpu.memory_space<semaphore_mem>>) src(%arg18 : memref<272x4xf32, #tpu.memory_space<vmem>>) dst(%dma_wait3A_90 : memref<272x4xf32, #tpu.memory_space<hbm>>)
      tpu.yield
    }) : () -> ()
    "tpu.region"() ({
      %run_scoped3A = tpu.sem_alloc : memref<!tpu.dma_semaphore, #tpu.memory_space<semaphore_mem>>
      %dma_start3A = arith.constant 0 : i32
      %dma_start3A_85 = tpu.memref_slice %arg10[%min3A_3, %dma_start3A] : memref<8400x81xf32, #tpu.memory_space<hbm>> -> memref<272x81xf32, #tpu.memory_space<hbm>>
      %dma_start3A_86 = arith.constant 0 : i32
      %dma_start3A_87 = tpu.memref_slice %arg10[%min3A_3, %dma_start3A_86] : memref<8400x81xf32, #tpu.memory_space<hbm>> -> memref<272x81xf32, #tpu.memory_space<hbm>>
      tpu.enqueue_dma source(%arg19 : memref<272x81xf32, #tpu.memory_space<vmem>>) target(%dma_start3A_87 : memref<272x81xf32, #tpu.memory_space<hbm>>) target_semaphore(%run_scoped3A : memref<!tpu.dma_semaphore, #tpu.memory_space<semaphore_mem>>)
      %dma_wait3A = arith.constant 0 : i32
      %dma_wait3A_88 = tpu.memref_slice %arg10[%min3A_3, %dma_wait3A] : memref<8400x81xf32, #tpu.memory_space<hbm>> -> memref<272x81xf32, #tpu.memory_space<hbm>>
      %dma_wait3A_89 = arith.constant 0 : i32
      %dma_wait3A_90 = tpu.memref_slice %arg10[%min3A_3, %dma_wait3A_89] : memref<8400x81xf32, #tpu.memory_space<hbm>> -> memref<272x81xf32, #tpu.memory_space<hbm>>
      tpu.wait_dma2 semaphore(%run_scoped3A : memref<!tpu.dma_semaphore, #tpu.memory_space<semaphore_mem>>) src(%arg19 : memref<272x81xf32, #tpu.memory_space<vmem>>) dst(%dma_wait3A_90 : memref<272x81xf32, #tpu.memory_space<hbm>>)
      tpu.yield
    }) : () -> ()
    return
  }
}

#map = affine_map<(d0, d1) -> (0, 0)>
module attributes {stable_mosaic.version = 14 : i64} {
  func.func @_topk_body(%arg0: i32, %arg1: i32, %arg2: memref<64x8400xf32, #tpu.memory_space<hbm>>, %arg3: memref<64x16xi32, #tpu.memory_space<hbm>>, %arg4: memref<64x16xi32, #tpu.memory_space<hbm>>, %arg5: memref<8400xf32, #tpu.memory_space<vmem>>, %arg6: memref<8400xf32, #tpu.memory_space<vmem>>, %arg7: memref<8416xf32, #tpu.memory_space<vmem>>, %arg8: memref<8416xi32, #tpu.memory_space<vmem>>, %arg9: memref<16xi32, #tpu.memory_space<vmem>>, %arg10: memref<16xi32, #tpu.memory_space<vmem>>, %arg11: memref<!tpu.dma_semaphore, #tpu.memory_space<semaphore_mem>>, %arg12: memref<!tpu.dma_semaphore, #tpu.memory_space<semaphore_mem>>) attributes {dimension_semantics = [#tpu.dimension_semantics<core_parallel>, #tpu.dimension_semantics<subcore_parallel>], iteration_bounds = array<i64: 2, 16>, scalar_prefetch = 0 : i64, scratch_operands = 8 : i64, tpu.core_type = #tpu.core_type<sc_vector_subcore>, window_params = [{transform_indices = #map}, {transform_indices = #map}, {transform_indices = #map}]} {
    %mul3A = arith.constant 2 : i32
    %mul3A_0 = arith.muli %arg1, %mul3A : i32
    %add3A = arith.addi %mul3A_0, %arg0 : i32
    %iota3A = tpu.iota {dimensions = array<i32: 0>} : vector<16xi32>
    %broadcast_in_dim3A = arith.constant 0 : i32
    %broadcast_in_dim3A_1 = vector.broadcast %broadcast_in_dim3A : i32 to vector<16xi32>
    %mul3A_2 = arith.constant 2 : i32
    %mul3A_3 = arith.muli %add3A, %mul3A_2 : i32
    %mul3A_4 = arith.constant 2 : i32
    %mul3A_5 = arith.muli %add3A, %mul3A_4 : i32
    %add3A_6 = arith.constant 1 : i32
    %add3A_7 = arith.addi %mul3A_5, %add3A_6 : i32
    %dma_start3A = arith.constant 0 : i32
    %dma_start3A_8 = tpu.memref_slice %arg2[%mul3A_3, %dma_start3A] : memref<64x8400xf32, #tpu.memory_space<hbm>> -> memref<1x8400xf32, #tpu.memory_space<hbm>>
    %dma_start3A_9 = tpu.memref_squeeze %dma_start3A_8 : memref<1x8400xf32, #tpu.memory_space<hbm>> -> memref<8400xf32, #tpu.memory_space<hbm>>
    %dma_start3A_10 = arith.constant 0 : i32
    %dma_start3A_11 = tpu.memref_slice %arg2[%mul3A_3, %dma_start3A_10] : memref<64x8400xf32, #tpu.memory_space<hbm>> -> memref<1x8400xf32, #tpu.memory_space<hbm>>
    %dma_start3A_12 = tpu.memref_squeeze %dma_start3A_11 : memref<1x8400xf32, #tpu.memory_space<hbm>> -> memref<8400xf32, #tpu.memory_space<hbm>>
    tpu.enqueue_dma source(%dma_start3A_12 : memref<8400xf32, #tpu.memory_space<hbm>>) target(%arg5 : memref<8400xf32, #tpu.memory_space<vmem>>) target_semaphore(%arg11 : memref<!tpu.dma_semaphore, #tpu.memory_space<semaphore_mem>>)
    %dma_start3A_13 = arith.constant 0 : i32
    %dma_start3A_14 = tpu.memref_slice %arg2[%add3A_7, %dma_start3A_13] : memref<64x8400xf32, #tpu.memory_space<hbm>> -> memref<1x8400xf32, #tpu.memory_space<hbm>>
    %dma_start3A_15 = tpu.memref_squeeze %dma_start3A_14 : memref<1x8400xf32, #tpu.memory_space<hbm>> -> memref<8400xf32, #tpu.memory_space<hbm>>
    %dma_start3A_16 = arith.constant 0 : i32
    %dma_start3A_17 = tpu.memref_slice %arg2[%add3A_7, %dma_start3A_16] : memref<64x8400xf32, #tpu.memory_space<hbm>> -> memref<1x8400xf32, #tpu.memory_space<hbm>>
    %dma_start3A_18 = tpu.memref_squeeze %dma_start3A_17 : memref<1x8400xf32, #tpu.memory_space<hbm>> -> memref<8400xf32, #tpu.memory_space<hbm>>
    tpu.enqueue_dma source(%dma_start3A_18 : memref<8400xf32, #tpu.memory_space<hbm>>) target(%arg6 : memref<8400xf32, #tpu.memory_space<vmem>>) target_semaphore(%arg12 : memref<!tpu.dma_semaphore, #tpu.memory_space<semaphore_mem>>)
    %mul3A_19 = arith.constant 2 : i32
    %mul3A_20 = arith.muli %add3A, %mul3A_19 : i32
    %add3A_21 = arith.constant 0 : i32
    %add3A_22 = arith.addi %mul3A_20, %add3A_21 : i32
    %dma_wait3A = arith.constant 0 : i32
    %dma_wait3A_23 = tpu.memref_slice %arg2[%mul3A_3, %dma_wait3A] : memref<64x8400xf32, #tpu.memory_space<hbm>> -> memref<1x8400xf32, #tpu.memory_space<hbm>>
    %dma_wait3A_24 = tpu.memref_squeeze %dma_wait3A_23 : memref<1x8400xf32, #tpu.memory_space<hbm>> -> memref<8400xf32, #tpu.memory_space<hbm>>
    %dma_wait3A_25 = arith.constant 0 : i32
    %dma_wait3A_26 = tpu.memref_slice %arg2[%mul3A_3, %dma_wait3A_25] : memref<64x8400xf32, #tpu.memory_space<hbm>> -> memref<1x8400xf32, #tpu.memory_space<hbm>>
    %dma_wait3A_27 = tpu.memref_squeeze %dma_wait3A_26 : memref<1x8400xf32, #tpu.memory_space<hbm>> -> memref<8400xf32, #tpu.memory_space<hbm>>
    tpu.wait_dma2 semaphore(%arg11 : memref<!tpu.dma_semaphore, #tpu.memory_space<semaphore_mem>>) src(%dma_wait3A_27 : memref<8400xf32, #tpu.memory_space<hbm>>) dst(%arg5 : memref<8400xf32, #tpu.memory_space<vmem>>)
    %scan3A = arith.constant 0 : i32
    %scan3A_28 = arith.constant 105 : i32
    %scan3A_29 = arith.addi %scan3A, %scan3A_28 : i32
    %scan3A_30 = arith.constant 1 : i32
    %scan3A_31:2 = scf.for %scan3A_199 = %scan3A to %scan3A_29 step %scan3A_30 iter_args(%scan3A_200 = %iota3A, %scan3A_201 = %iota3A) -> (vector<16xi32>, vector<16xi32>)  : i32 {
      %mul3A_202 = arith.constant 5 : i32
      %mul3A_203 = arith.muli %scan3A_199, %mul3A_202 : i32
      %add3A_204 = arith.constant 0 : i32
      %add3A_205 = arith.addi %mul3A_203, %add3A_204 : i32
      %mul3A_206 = arith.constant 16 : i32
      %mul3A_207 = arith.muli %add3A_205, %mul3A_206 : i32
      %get3A = arith.index_cast %mul3A_207 : i32 to index
      %get3A_208 = tpu.vector_load %arg5[%get3A] {strides = array<i32>} : memref<8400xf32, #tpu.memory_space<vmem>>, vector<16xf32>,
      %lt3A = arith.constant 1.000000e+09 : f32
      %lt3A_209 = vector.broadcast %lt3A : f32 to vector<16xf32>
      %lt3A_210 = arith.cmpf olt, %get3A_208, %lt3A_209 : vector<16xf32>
      tpu.vector_store_idx %arg7[%scan3A_200], %get3A_208 masked %lt3A_210 : memref<8416xf32, #tpu.memory_space<vmem>>[vector<16xi32>], vector<16xf32>, vector<16xi1>
      tpu.vector_store_idx %arg8[%scan3A_200], %scan3A_201 masked %lt3A_210 : memref<8416xi32, #tpu.memory_space<vmem>>[vector<16xi32>], vector<16xi32>, vector<16xi1>
      %jit3A_211 = arith.constant 16 : i32
      %jit3A_212 = arith.constant 0 : i32
      %broadcast_in_dim3A_213 = vector.broadcast %jit3A_211 : i32 to vector<16xi32>
      %broadcast_in_dim3A_214 = vector.broadcast %jit3A_212 : i32 to vector<16xi32>
      %select_n3A_215 = arith.select %lt3A_210, %broadcast_in_dim3A_213, %broadcast_in_dim3A_214 : vector<16xi1>, vector<16xi32>
      %add3A_216 = arith.addi %scan3A_200, %select_n3A_215 : vector<16xi32>
      %add3A_217 = arith.constant 16 : i32
      %add3A_218 = vector.broadcast %add3A_217 : i32 to vector<16xi32>
      %add3A_219 = arith.addi %scan3A_201, %add3A_218 : vector<16xi32>
      %mul3A_220 = arith.constant 5 : i32
      %mul3A_221 = arith.muli %scan3A_199, %mul3A_220 : i32
      %add3A_222 = arith.constant 1 : i32
      %add3A_223 = arith.addi %mul3A_221, %add3A_222 : i32
      %mul3A_224 = arith.constant 16 : i32
      %mul3A_225 = arith.muli %add3A_223, %mul3A_224 : i32
      %get3A_226 = arith.index_cast %mul3A_225 : i32 to index
      %get3A_227 = tpu.vector_load %arg5[%get3A_226] {strides = array<i32>} : memref<8400xf32, #tpu.memory_space<vmem>>, vector<16xf32>,
      %lt3A_228 = arith.constant 1.000000e+09 : f32
      %lt3A_229 = vector.broadcast %lt3A_228 : f32 to vector<16xf32>
      %lt3A_230 = arith.cmpf olt, %get3A_227, %lt3A_229 : vector<16xf32>
      tpu.vector_store_idx %arg7[%add3A_216], %get3A_227 masked %lt3A_230 : memref<8416xf32, #tpu.memory_space<vmem>>[vector<16xi32>], vector<16xf32>, vector<16xi1>
      tpu.vector_store_idx %arg8[%add3A_216], %add3A_219 masked %lt3A_230 : memref<8416xi32, #tpu.memory_space<vmem>>[vector<16xi32>], vector<16xi32>, vector<16xi1>
      %jit3A_231 = arith.constant 16 : i32
      %jit3A_232 = arith.constant 0 : i32
      %broadcast_in_dim3A_233 = vector.broadcast %jit3A_231 : i32 to vector<16xi32>
      %broadcast_in_dim3A_234 = vector.broadcast %jit3A_232 : i32 to vector<16xi32>
      %select_n3A_235 = arith.select %lt3A_230, %broadcast_in_dim3A_233, %broadcast_in_dim3A_234 : vector<16xi1>, vector<16xi32>
      %add3A_236 = arith.addi %add3A_216, %select_n3A_235 : vector<16xi32>
      %add3A_237 = arith.constant 16 : i32
      %add3A_238 = vector.broadcast %add3A_237 : i32 to vector<16xi32>
      %add3A_239 = arith.addi %add3A_219, %add3A_238 : vector<16xi32>
      %mul3A_240 = arith.constant 5 : i32
      %mul3A_241 = arith.muli %scan3A_199, %mul3A_240 : i32
      %add3A_242 = arith.constant 2 : i32
      %add3A_243 = arith.addi %mul3A_241, %add3A_242 : i32
      %mul3A_244 = arith.constant 16 : i32
      %mul3A_245 = arith.muli %add3A_243, %mul3A_244 : i32
      %get3A_246 = arith.index_cast %mul3A_245 : i32 to index
      %get3A_247 = tpu.vector_load %arg5[%get3A_246] {strides = array<i32>} : memref<8400xf32, #tpu.memory_space<vmem>>, vector<16xf32>,
      %lt3A_248 = arith.constant 1.000000e+09 : f32
      %lt3A_249 = vector.broadcast %lt3A_248 : f32 to vector<16xf32>
      %lt3A_250 = arith.cmpf olt, %get3A_247, %lt3A_249 : vector<16xf32>
      tpu.vector_store_idx %arg7[%add3A_236], %get3A_247 masked %lt3A_250 : memref<8416xf32, #tpu.memory_space<vmem>>[vector<16xi32>], vector<16xf32>, vector<16xi1>
      tpu.vector_store_idx %arg8[%add3A_236], %add3A_239 masked %lt3A_250 : memref<8416xi32, #tpu.memory_space<vmem>>[vector<16xi32>], vector<16xi32>, vector<16xi1>
      %jit3A_251 = arith.constant 16 : i32
      %jit3A_252 = arith.constant 0 : i32
      %broadcast_in_dim3A_253 = vector.broadcast %jit3A_251 : i32 to vector<16xi32>
      %broadcast_in_dim3A_254 = vector.broadcast %jit3A_252 : i32 to vector<16xi32>
      %select_n3A_255 = arith.select %lt3A_250, %broadcast_in_dim3A_253, %broadcast_in_dim3A_254 : vector<16xi1>, vector<16xi32>
      %add3A_256 = arith.addi %add3A_236, %select_n3A_255 : vector<16xi32>
      %add3A_257 = arith.constant 16 : i32
      %add3A_258 = vector.broadcast %add3A_257 : i32 to vector<16xi32>
      %add3A_259 = arith.addi %add3A_239, %add3A_258 : vector<16xi32>
      %mul3A_260 = arith.constant 5 : i32
      %mul3A_261 = arith.muli %scan3A_199, %mul3A_260 : i32
      %add3A_262 = arith.constant 3 : i32
      %add3A_263 = arith.addi %mul3A_261, %add3A_262 : i32
      %mul3A_264 = arith.constant 16 : i32
      %mul3A_265 = arith.muli %add3A_263, %mul3A_264 : i32
      %get3A_266 = arith.index_cast %mul3A_265 : i32 to index
      %get3A_267 = tpu.vector_load %arg5[%get3A_266] {strides = array<i32>} : memref<8400xf32, #tpu.memory_space<vmem>>, vector<16xf32>,
      %lt3A_268 = arith.constant 1.000000e+09 : f32
      %lt3A_269 = vector.broadcast %lt3A_268 : f32 to vector<16xf32>
      %lt3A_270 = arith.cmpf olt, %get3A_267, %lt3A_269 : vector<16xf32>
      tpu.vector_store_idx %arg7[%add3A_256], %get3A_267 masked %lt3A_270 : memref<8416xf32, #tpu.memory_space<vmem>>[vector<16xi32>], vector<16xf32>, vector<16xi1>
      tpu.vector_store_idx %arg8[%add3A_256], %add3A_259 masked %lt3A_270 : memref<8416xi32, #tpu.memory_space<vmem>>[vector<16xi32>], vector<16xi32>, vector<16xi1>
      %jit3A_271 = arith.constant 16 : i32
      %jit3A_272 = arith.constant 0 : i32
      %broadcast_in_dim3A_273 = vector.broadcast %jit3A_271 : i32 to vector<16xi32>
      %broadcast_in_dim3A_274 = vector.broadcast %jit3A_272 : i32 to vector<16xi32>
      %select_n3A_275 = arith.select %lt3A_270, %broadcast_in_dim3A_273, %broadcast_in_dim3A_274 : vector<16xi1>, vector<16xi32>
      %add3A_276 = arith.addi %add3A_256, %select_n3A_275 : vector<16xi32>
      %add3A_277 = arith.constant 16 : i32
      %add3A_278 = vector.broadcast %add3A_277 : i32 to vector<16xi32>
      %add3A_279 = arith.addi %add3A_259, %add3A_278 : vector<16xi32>
      %mul3A_280 = arith.constant 5 : i32
      %mul3A_281 = arith.muli %scan3A_199, %mul3A_280 : i32
      %add3A_282 = arith.constant 4 : i32
      %add3A_283 = arith.addi %mul3A_281, %add3A_282 : i32
      %mul3A_284 = arith.constant 16 : i32
      %mul3A_285 = arith.muli %add3A_283, %mul3A_284 : i32
      %get3A_286 = arith.index_cast %mul3A_285 : i32 to index
      %get3A_287 = tpu.vector_load %arg5[%get3A_286] {strides = array<i32>} : memref<8400xf32, #tpu.memory_space<vmem>>, vector<16xf32>,
      %lt3A_288 = arith.constant 1.000000e+09 : f32
      %lt3A_289 = vector.broadcast %lt3A_288 : f32 to vector<16xf32>
      %lt3A_290 = arith.cmpf olt, %get3A_287, %lt3A_289 : vector<16xf32>
      tpu.vector_store_idx %arg7[%add3A_276], %get3A_287 masked %lt3A_290 : memref<8416xf32, #tpu.memory_space<vmem>>[vector<16xi32>], vector<16xf32>, vector<16xi1>
      tpu.vector_store_idx %arg8[%add3A_276], %add3A_279 masked %lt3A_290 : memref<8416xi32, #tpu.memory_space<vmem>>[vector<16xi32>], vector<16xi32>, vector<16xi1>
      %jit3A_291 = arith.constant 16 : i32
      %jit3A_292 = arith.constant 0 : i32
      %broadcast_in_dim3A_293 = vector.broadcast %jit3A_291 : i32 to vector<16xi32>
      %broadcast_in_dim3A_294 = vector.broadcast %jit3A_292 : i32 to vector<16xi32>
      %select_n3A_295 = arith.select %lt3A_290, %broadcast_in_dim3A_293, %broadcast_in_dim3A_294 : vector<16xi1>, vector<16xi32>
      %add3A_296 = arith.addi %add3A_276, %select_n3A_295 : vector<16xi32>
      %add3A_297 = arith.constant 16 : i32
      %add3A_298 = vector.broadcast %add3A_297 : i32 to vector<16xi32>
      %add3A_299 = arith.addi %add3A_279, %add3A_298 : vector<16xi32>
      scf.yield %add3A_296, %add3A_299 : vector<16xi32>, vector<16xi32>
    }
    %scan3A_32 = arith.constant 105 : i32
    %shift_right_logical3A = arith.constant 4 : i32
    %shift_right_logical3A_33 = vector.broadcast %shift_right_logical3A : i32 to vector<16xi32>
    %shift_right_logical3A_34 = arith.shrui %scan3A_31#0, %shift_right_logical3A_33 : vector<16xi32>
    %swap3A = arith.constant 0 : index
    %swap3A_35 = tpu.vector_load %arg9[%swap3A] {strides = array<i32>} : memref<16xi32, #tpu.memory_space<vmem>>, vector<16xi32>,
    tpu.vector_store %arg9[%swap3A], %shift_right_logical3A_34 {strides = array<i32>} : memref<16xi32, #tpu.memory_space<vmem>>, vector<16xi32>,
    %xor3A = arith.constant 8 : i32
    %xor3A_36 = vector.broadcast %xor3A : i32 to vector<16xi32>
    %xor3A_37 = arith.xori %iota3A, %xor3A_36 : vector<16xi32>
    %gather3A = tpu.vector_load_idx %arg9[%xor3A_37] : memref<16xi32, #tpu.memory_space<vmem>>[vector<16xi32>], vector<16xi32>,
    %add3A_38 = arith.addi %shift_right_logical3A_34, %gather3A : vector<16xi32>
    %swap3A_39 = arith.constant 0 : index
    %swap3A_40 = tpu.vector_load %arg9[%swap3A_39] {strides = array<i32>} : memref<16xi32, #tpu.memory_space<vmem>>, vector<16xi32>,
    tpu.vector_store %arg9[%swap3A_39], %add3A_38 {strides = array<i32>} : memref<16xi32, #tpu.memory_space<vmem>>, vector<16xi32>,
    %xor3A_41 = arith.constant 4 : i32
    %xor3A_42 = vector.broadcast %xor3A_41 : i32 to vector<16xi32>
    %xor3A_43 = arith.xori %iota3A, %xor3A_42 : vector<16xi32>
    %gather3A_44 = tpu.vector_load_idx %arg9[%xor3A_43] : memref<16xi32, #tpu.memory_space<vmem>>[vector<16xi32>], vector<16xi32>,
    %add3A_45 = arith.addi %add3A_38, %gather3A_44 : vector<16xi32>
    %swap3A_46 = arith.constant 0 : index
    %swap3A_47 = tpu.vector_load %arg9[%swap3A_46] {strides = array<i32>} : memref<16xi32, #tpu.memory_space<vmem>>, vector<16xi32>,
    tpu.vector_store %arg9[%swap3A_46], %add3A_45 {strides = array<i32>} : memref<16xi32, #tpu.memory_space<vmem>>, vector<16xi32>,
    %xor3A_48 = arith.constant 2 : i32
    %xor3A_49 = vector.broadcast %xor3A_48 : i32 to vector<16xi32>
    %xor3A_50 = arith.xori %iota3A, %xor3A_49 : vector<16xi32>
    %gather3A_51 = tpu.vector_load_idx %arg9[%xor3A_50] : memref<16xi32, #tpu.memory_space<vmem>>[vector<16xi32>], vector<16xi32>,
    %add3A_52 = arith.addi %add3A_45, %gather3A_51 : vector<16xi32>
    %swap3A_53 = arith.constant 0 : index
    %swap3A_54 = tpu.vector_load %arg9[%swap3A_53] {strides = array<i32>} : memref<16xi32, #tpu.memory_space<vmem>>, vector<16xi32>,
    tpu.vector_store %arg9[%swap3A_53], %add3A_52 {strides = array<i32>} : memref<16xi32, #tpu.memory_space<vmem>>, vector<16xi32>,
    %xor3A_55 = arith.constant 1 : i32
    %xor3A_56 = vector.broadcast %xor3A_55 : i32 to vector<16xi32>
    %xor3A_57 = arith.xori %iota3A, %xor3A_56 : vector<16xi32>
    %gather3A_58 = tpu.vector_load_idx %arg9[%xor3A_57] : memref<16xi32, #tpu.memory_space<vmem>>[vector<16xi32>], vector<16xi32>,
    %add3A_59 = arith.addi %add3A_52, %gather3A_58 : vector<16xi32>
    %slice3A = vector.extract_strided_slice %add3A_59 {offsets = [0], sizes = [1], strides = [1]} : vector<16xi32> to vector<1xi32>
    %squeeze3A = vector.extract %slice3A[0] : i32 from vector<1xi32>
    %masked_sort3A = arith.constant dense<true> : vector<16xi1>
    %masked_sort3A_60 = arith.constant -2147483648 : i32
    %masked_sort3A_61 = vector.broadcast %masked_sort3A_60 : i32 to vector<16xi32>
    %masked_sort3A_62 = arith.xori %shift_right_logical3A_34, %masked_sort3A_61 : vector<16xi32>
    %masked_sort3A_63, %masked_sort3A_64, %masked_sort3A_65 = tpu.sort %masked_sort3A_62, %shift_right_logical3A_34 masked %masked_sort3A : (vector<16xi32>, vector<16xi32>, vector<16xi1>) -> (vector<16xi1>, vector<16xi32>, vector<16xi32>)
    %masked_sort3A_66 = arith.xori %masked_sort3A_64, %masked_sort3A_61 : vector<16xi32>
    %slice3A_67 = vector.extract_strided_slice %masked_sort3A_66 {offsets = [15], sizes = [1], strides = [1]} : vector<16xi32> to vector<1xi32>
    %squeeze3A_68 = vector.extract %slice3A_67[0] : i32 from vector<1xi32>
    %broadcast_in_dim3A_69 = arith.constant 3.000000e+38 : f32
    %broadcast_in_dim3A_70 = vector.broadcast %broadcast_in_dim3A_69 : f32 to vector<16xf32>
    %broadcast_in_dim3A_71 = arith.constant -1 : i32
    %broadcast_in_dim3A_72 = vector.broadcast %broadcast_in_dim3A_71 : i32 to vector<16xi32>
    %while3A = arith.constant 0 : i32
    %while3A_73 = arith.subi %squeeze3A_68, %while3A : i32
    %while3A_74 = arith.addi %while3A, %while3A_73 : i32
    %while3A_75 = arith.constant 1 : i32
    %while3A_76 = arith.divsi %while3A_73, %while3A_75 : i32
    %while3A_77 = arith.muli %while3A_76, %while3A_75 : i32
    %while3A_78 = arith.addi %while3A, %while3A_77 : i32
    %while3A_79 = arith.constant 1 : i32
    %while3A_80:2 = scf.for %while3A_199 = %while3A to %while3A_78 step %while3A_79 iter_args(%while3A_200 = %broadcast_in_dim3A_70, %while3A_201 = %broadcast_in_dim3A_72) -> (vector<16xf32>, vector<16xi32>)  : i32 {
      %lt3A = vector.broadcast %while3A_199 : i32 to vector<16xi32>
      %lt3A_202 = arith.cmpi slt, %lt3A, %shift_right_logical3A_34 : vector<16xi32>
      %mul3A_203 = arith.constant 16 : i32
      %mul3A_204 = arith.muli %while3A_199, %mul3A_203 : i32
      %get3A = arith.index_cast %mul3A_204 : i32 to index
      %get3A_205 = tpu.vector_load %arg7[%get3A] {strides = array<i32>} : memref<8416xf32, #tpu.memory_space<vmem>>, vector<16xf32>,
      %jit3A_206 = arith.constant 3.000000e+38 : f32
      %broadcast_in_dim3A_207 = vector.broadcast %jit3A_206 : f32 to vector<16xf32>
      %select_n3A_208 = arith.select %lt3A_202, %get3A_205, %broadcast_in_dim3A_207 : vector<16xi1>, vector<16xf32>
      %mul3A_209 = arith.constant 16 : i32
      %mul3A_210 = arith.muli %while3A_199, %mul3A_209 : i32
      %get3A_211 = arith.index_cast %mul3A_210 : i32 to index
      %get3A_212 = tpu.vector_load %arg8[%get3A_211] {strides = array<i32>} : memref<8416xi32, #tpu.memory_space<vmem>>, vector<16xi32>,
      %masked_sort3A_213 = arith.constant dense<true> : vector<16xi1>
      %masked_sort3A_214, %masked_sort3A_215, %masked_sort3A_216 = tpu.sort %select_n3A_208, %get3A_212 masked %masked_sort3A_213 : (vector<16xf32>, vector<16xi32>, vector<16xi1>) -> (vector<16xi1>, vector<16xf32>, vector<16xi32>)
      %rev3A = arith.constant 15 : i32
      %rev3A_217 = vector.broadcast %rev3A : i32 to vector<16xi32>
      %rev3A_218 = tpu.iota {dimensions = array<i32: 0>} : vector<16xi32>
      %rev3A_219 = arith.subi %rev3A_217, %rev3A_218 : vector<16xi32>
      %rev3A_220 = tpu.dynamic_gather %masked_sort3A_215[%rev3A_219] in [0] : vector<16xf32>, vector<16xi32> -> vector<16xf32>
      %rev3A_221 = arith.constant 15 : i32
      %rev3A_222 = vector.broadcast %rev3A_221 : i32 to vector<16xi32>
      %rev3A_223 = tpu.iota {dimensions = array<i32: 0>} : vector<16xi32>
      %rev3A_224 = arith.subi %rev3A_222, %rev3A_223 : vector<16xi32>
      %rev3A_225 = tpu.dynamic_gather %masked_sort3A_216[%rev3A_224] in [0] : vector<16xi32>, vector<16xi32> -> vector<16xi32>
      %lt3A_226 = arith.cmpf olt, %rev3A_220, %while3A_200 : vector<16xf32>
      %select_n3A_227 = arith.select %lt3A_226, %rev3A_220, %while3A_200 : vector<16xi1>, vector<16xf32>
      %select_n3A_228 = arith.select %lt3A_226, %rev3A_225, %while3A_201 : vector<16xi1>, vector<16xi32>
      %masked_sort3A_229 = arith.constant dense<true> : vector<16xi1>
      %masked_sort3A_230, %masked_sort3A_231, %masked_sort3A_232 = tpu.sort %select_n3A_227, %select_n3A_228 masked %masked_sort3A_229 : (vector<16xf32>, vector<16xi32>, vector<16xi1>) -> (vector<16xi1>, vector<16xf32>, vector<16xi32>)
      scf.yield %masked_sort3A_231, %masked_sort3A_232 : vector<16xf32>, vector<16xi32>
    }
    %while3A_81 = arith.constant 1 : i32
    %while3A_82:2 = scf.for %while3A_199 = %while3A_78 to %while3A_74 step %while3A_81 iter_args(%while3A_200 = %while3A_80#0, %while3A_201 = %while3A_80#1) -> (vector<16xf32>, vector<16xi32>)  : i32 {
      %lt3A = vector.broadcast %while3A_199 : i32 to vector<16xi32>
      %lt3A_202 = arith.cmpi slt, %lt3A, %shift_right_logical3A_34 : vector<16xi32>
      %mul3A_203 = arith.constant 16 : i32
      %mul3A_204 = arith.muli %while3A_199, %mul3A_203 : i32
      %get3A = arith.index_cast %mul3A_204 : i32 to index
      %get3A_205 = tpu.vector_load %arg7[%get3A] {strides = array<i32>} : memref<8416xf32, #tpu.memory_space<vmem>>, vector<16xf32>,
      %jit3A_206 = arith.constant 3.000000e+38 : f32
      %broadcast_in_dim3A_207 = vector.broadcast %jit3A_206 : f32 to vector<16xf32>
      %select_n3A_208 = arith.select %lt3A_202, %get3A_205, %broadcast_in_dim3A_207 : vector<16xi1>, vector<16xf32>
      %mul3A_209 = arith.constant 16 : i32
      %mul3A_210 = arith.muli %while3A_199, %mul3A_209 : i32
      %get3A_211 = arith.index_cast %mul3A_210 : i32 to index
      %get3A_212 = tpu.vector_load %arg8[%get3A_211] {strides = array<i32>} : memref<8416xi32, #tpu.memory_space<vmem>>, vector<16xi32>,
      %masked_sort3A_213 = arith.constant dense<true> : vector<16xi1>
      %masked_sort3A_214, %masked_sort3A_215, %masked_sort3A_216 = tpu.sort %select_n3A_208, %get3A_212 masked %masked_sort3A_213 : (vector<16xf32>, vector<16xi32>, vector<16xi1>) -> (vector<16xi1>, vector<16xf32>, vector<16xi32>)
      %rev3A = arith.constant 15 : i32
      %rev3A_217 = vector.broadcast %rev3A : i32 to vector<16xi32>
      %rev3A_218 = tpu.iota {dimensions = array<i32: 0>} : vector<16xi32>
      %rev3A_219 = arith.subi %rev3A_217, %rev3A_218 : vector<16xi32>
      %rev3A_220 = tpu.dynamic_gather %masked_sort3A_215[%rev3A_219] in [0] : vector<16xf32>, vector<16xi32> -> vector<16xf32>
      %rev3A_221 = arith.constant 15 : i32
      %rev3A_222 = vector.broadcast %rev3A_221 : i32 to vector<16xi32>
      %rev3A_223 = tpu.iota {dimensions = array<i32: 0>} : vector<16xi32>
      %rev3A_224 = arith.subi %rev3A_222, %rev3A_223 : vector<16xi32>
      %rev3A_225 = tpu.dynamic_gather %masked_sort3A_216[%rev3A_224] in [0] : vector<16xi32>, vector<16xi32> -> vector<16xi32>
      %lt3A_226 = arith.cmpf olt, %rev3A_220, %while3A_200 : vector<16xf32>
      %select_n3A_227 = arith.select %lt3A_226, %rev3A_220, %while3A_200 : vector<16xi1>, vector<16xf32>
      %select_n3A_228 = arith.select %lt3A_226, %rev3A_225, %while3A_201 : vector<16xi1>, vector<16xi32>
      %masked_sort3A_229 = arith.constant dense<true> : vector<16xi1>
      %masked_sort3A_230, %masked_sort3A_231, %masked_sort3A_232 = tpu.sort %select_n3A_227, %select_n3A_228 masked %masked_sort3A_229 : (vector<16xf32>, vector<16xi32>, vector<16xi1>) -> (vector<16xi1>, vector<16xf32>, vector<16xi32>)
      scf.yield %masked_sort3A_231, %masked_sort3A_232 : vector<16xf32>, vector<16xi32>
    }
    %eq3A = arith.constant 0 : i32
    %eq3A_83 = arith.cmpi eq, %squeeze3A, %eq3A : i32
    %convert_element_type3A = arith.extui %eq3A_83 : i1 to i32
    %cond3A = arith.constant 0 : i32
    %cond3A_84 = arith.constant 0 : i32
    %cond3A_85 = arith.cmpi ne, %convert_element_type3A, %cond3A_84 : i32
    %cond3A_86 = scf.if %cond3A_85 -> (i32) {
      %broadcast_in_dim3A_199 = arith.constant 0x7F800000 : f32
      %broadcast_in_dim3A_200 = vector.broadcast %broadcast_in_dim3A_199 : f32 to vector<16xf32>
      %broadcast_in_dim3A_201 = arith.constant 1073741824 : i32
      %broadcast_in_dim3A_202 = vector.broadcast %broadcast_in_dim3A_201 : i32 to vector<16xi32>
      %scan3A_203 = arith.constant 0 : i32
      %scan3A_204 = arith.constant 525 : i32
      %scan3A_205 = arith.addi %scan3A_203, %scan3A_204 : i32
      %scan3A_206 = arith.constant 1 : i32
      %scan3A_207:2 = scf.for %scan3A_233 = %scan3A_203 to %scan3A_205 step %scan3A_206 iter_args(%scan3A_234 = %broadcast_in_dim3A_200, %scan3A_235 = %broadcast_in_dim3A_202) -> (vector<16xf32>, vector<16xi32>)  : i32 {
        %mul3A_236 = arith.constant 16 : i32
        %mul3A_237 = arith.muli %scan3A_233, %mul3A_236 : i32
        %get3A = arith.index_cast %mul3A_237 : i32 to index
        %get3A_238 = tpu.vector_load %arg5[%get3A] {strides = array<i32>} : memref<8400xf32, #tpu.memory_space<vmem>>, vector<16xf32>,
        %mul3A_239 = arith.constant 16 : i32
        %mul3A_240 = arith.muli %scan3A_233, %mul3A_239 : i32
        %add3A_241 = vector.broadcast %mul3A_240 : i32 to vector<16xi32>
        %add3A_242 = arith.addi %add3A_241, %iota3A : vector<16xi32>
        %lt3A = arith.cmpf olt, %get3A_238, %scan3A_234 : vector<16xf32>
        %eq3A_243 = arith.cmpf oeq, %get3A_238, %scan3A_234 : vector<16xf32>
        %lt3A_244 = arith.cmpi slt, %add3A_242, %scan3A_235 : vector<16xi32>
        %and3A = arith.andi %eq3A_243, %lt3A_244 : vector<16xi1>
        %or3A = arith.ori %lt3A, %and3A : vector<16xi1>
        %select_n3A_245 = arith.select %or3A, %get3A_238, %scan3A_234 : vector<16xi1>, vector<16xf32>
        %select_n3A_246 = arith.select %or3A, %add3A_242, %scan3A_235 : vector<16xi1>, vector<16xi32>
        scf.yield %select_n3A_245, %select_n3A_246 : vector<16xf32>, vector<16xi32>
      }
      %scan3A_208 = arith.constant 525 : i32
      %masked_sort3A_209 = arith.constant dense<true> : vector<16xi1>
      %masked_sort3A_210, %masked_sort3A_211, %masked_sort3A_212 = tpu.sort %scan3A_207#0, %scan3A_207#1 masked %masked_sort3A_209 : (vector<16xf32>, vector<16xi32>, vector<16xi1>) -> (vector<16xi1>, vector<16xf32>, vector<16xi32>)
      %broadcast_in_dim3A_213 = arith.constant 0.000000e+00 : f32
      %broadcast_in_dim3A_214 = vector.broadcast %broadcast_in_dim3A_213 : f32 to vector<16xf32>
      %slice3A_215 = vector.extract_strided_slice %masked_sort3A_211 {offsets = [0], sizes = [1], strides = [1]} : vector<16xf32> to vector<1xf32>
      %squeeze3A_216 = vector.extract %slice3A_215[0] : f32 from vector<1xf32>
      %add3A_217 = vector.broadcast %squeeze3A_216 : f32 to vector<16xf32>
      %add3A_218 = arith.addf %broadcast_in_dim3A_214, %add3A_217 : vector<16xf32>
      %eq3A_219 = arith.cmpf oeq, %scan3A_207#0, %add3A_218 : vector<16xf32>
      %jit3A_220 = arith.constant 1073741824 : i32
      %broadcast_in_dim3A_221 = vector.broadcast %jit3A_220 : i32 to vector<16xi32>
      %select_n3A_222 = arith.select %eq3A_219, %scan3A_207#1, %broadcast_in_dim3A_221 : vector<16xi1>, vector<16xi32>
      %masked_sort3A_223 = arith.constant dense<true> : vector<16xi1>
      %masked_sort3A_224 = arith.constant -2147483648 : i32
      %masked_sort3A_225 = vector.broadcast %masked_sort3A_224 : i32 to vector<16xi32>
      %masked_sort3A_226 = arith.xori %select_n3A_222, %masked_sort3A_225 : vector<16xi32>
      %masked_sort3A_227, %masked_sort3A_228, %masked_sort3A_229 = tpu.sort %masked_sort3A_226, %select_n3A_222 masked %masked_sort3A_223 : (vector<16xi32>, vector<16xi32>, vector<16xi1>) -> (vector<16xi1>, vector<16xi32>, vector<16xi32>)
      %masked_sort3A_230 = arith.xori %masked_sort3A_228, %masked_sort3A_225 : vector<16xi32>
      %slice3A_231 = vector.extract_strided_slice %masked_sort3A_230 {offsets = [0], sizes = [1], strides = [1]} : vector<16xi32> to vector<1xi32>
      %squeeze3A_232 = vector.extract %slice3A_231[0] : i32 from vector<1xi32>
      scf.yield %squeeze3A_232 : i32
    } else {
      %cond3A_199 = arith.constant 0 : i32
      scf.yield %cond3A_199 : i32
    }
    %add3A_87 = vector.broadcast %squeeze3A : i32 to vector<16xi32>
    %add3A_88 = arith.addi %broadcast_in_dim3A_1, %add3A_87 : vector<16xi32>
    %gt3A = arith.constant 0 : i32
    %gt3A_89 = vector.broadcast %gt3A : i32 to vector<16xi32>
    %gt3A_90 = arith.cmpi sgt, %add3A_88, %gt3A_89 : vector<16xi32>
    %add3A_91 = vector.broadcast %cond3A_86 : i32 to vector<16xi32>
    %add3A_92 = arith.addi %broadcast_in_dim3A_1, %add3A_91 : vector<16xi32>
    %select_n3A = arith.select %gt3A_90, %while3A_82#1, %add3A_92 : vector<16xi1>, vector<16xi32>
    %swap3A_93 = arith.constant 0 : index
    %swap3A_94 = tpu.vector_load %arg9[%swap3A_93] {strides = array<i32>} : memref<16xi32, #tpu.memory_space<vmem>>, vector<16xi32>,
    tpu.vector_store %arg9[%swap3A_93], %select_n3A {strides = array<i32>} : memref<16xi32, #tpu.memory_space<vmem>>, vector<16xi32>,
    "tpu.region"() ({
      %run_scoped3A = tpu.sem_alloc : memref<!tpu.dma_semaphore, #tpu.memory_space<semaphore_mem>>
      %dma_start3A_199 = arith.constant 0 : i32
      %dma_start3A_200 = tpu.memref_slice %arg3[%add3A_22, %dma_start3A_199] : memref<64x16xi32, #tpu.memory_space<hbm>> -> memref<1x16xi32, #tpu.memory_space<hbm>>
      %dma_start3A_201 = tpu.memref_squeeze %dma_start3A_200 : memref<1x16xi32, #tpu.memory_space<hbm>> -> memref<16xi32, #tpu.memory_space<hbm>>
      %dma_start3A_202 = arith.constant 0 : i32
      %dma_start3A_203 = tpu.memref_slice %arg3[%add3A_22, %dma_start3A_202] : memref<64x16xi32, #tpu.memory_space<hbm>> -> memref<1x16xi32, #tpu.memory_space<hbm>>
      %dma_start3A_204 = tpu.memref_squeeze %dma_start3A_203 : memref<1x16xi32, #tpu.memory_space<hbm>> -> memref<16xi32, #tpu.memory_space<hbm>>
      tpu.enqueue_dma source(%arg9 : memref<16xi32, #tpu.memory_space<vmem>>) target(%dma_start3A_204 : memref<16xi32, #tpu.memory_space<hbm>>) target_semaphore(%run_scoped3A : memref<!tpu.dma_semaphore, #tpu.memory_space<semaphore_mem>>)
      %dma_wait3A_205 = arith.constant 0 : i32
      %dma_wait3A_206 = tpu.memref_slice %arg3[%add3A_22, %dma_wait3A_205] : memref<64x16xi32, #tpu.memory_space<hbm>> -> memref<1x16xi32, #tpu.memory_space<hbm>>
      %dma_wait3A_207 = tpu.memref_squeeze %dma_wait3A_206 : memref<1x16xi32, #tpu.memory_space<hbm>> -> memref<16xi32, #tpu.memory_space<hbm>>
      %dma_wait3A_208 = arith.constant 0 : i32
      %dma_wait3A_209 = tpu.memref_slice %arg3[%add3A_22, %dma_wait3A_208] : memref<64x16xi32, #tpu.memory_space<hbm>> -> memref<1x16xi32, #tpu.memory_space<hbm>>
      %dma_wait3A_210 = tpu.memref_squeeze %dma_wait3A_209 : memref<1x16xi32, #tpu.memory_space<hbm>> -> memref<16xi32, #tpu.memory_space<hbm>>
      tpu.wait_dma2 semaphore(%run_scoped3A : memref<!tpu.dma_semaphore, #tpu.memory_space<semaphore_mem>>) src(%arg9 : memref<16xi32, #tpu.memory_space<vmem>>) dst(%dma_wait3A_210 : memref<16xi32, #tpu.memory_space<hbm>>)
      tpu.yield
    }) : () -> ()
    %jit3A = arith.constant 1 : i32
    %jit3A_95 = arith.constant 10 : i32
    %max3A = vector.broadcast %jit3A : i32 to vector<16xi32>
    %max3A_96 = arith.maxsi %max3A, %add3A_88 : vector<16xi32>
    %min3A = vector.broadcast %jit3A_95 : i32 to vector<16xi32>
    %min3A_97 = arith.minsi %min3A, %max3A_96 : vector<16xi32>
    %swap3A_98 = arith.constant 0 : index
    %swap3A_99 = tpu.vector_load %arg10[%swap3A_98] {strides = array<i32>} : memref<16xi32, #tpu.memory_space<vmem>>, vector<16xi32>,
    tpu.vector_store %arg10[%swap3A_98], %min3A_97 {strides = array<i32>} : memref<16xi32, #tpu.memory_space<vmem>>, vector<16xi32>,
    "tpu.region"() ({
      %run_scoped3A = tpu.sem_alloc : memref<!tpu.dma_semaphore, #tpu.memory_space<semaphore_mem>>
      %dma_start3A_199 = arith.constant 0 : i32
      %dma_start3A_200 = tpu.memref_slice %arg4[%add3A_22, %dma_start3A_199] : memref<64x16xi32, #tpu.memory_space<hbm>> -> memref<1x16xi32, #tpu.memory_space<hbm>>
      %dma_start3A_201 = tpu.memref_squeeze %dma_start3A_200 : memref<1x16xi32, #tpu.memory_space<hbm>> -> memref<16xi32, #tpu.memory_space<hbm>>
      %dma_start3A_202 = arith.constant 0 : i32
      %dma_start3A_203 = tpu.memref_slice %arg4[%add3A_22, %dma_start3A_202] : memref<64x16xi32, #tpu.memory_space<hbm>> -> memref<1x16xi32, #tpu.memory_space<hbm>>
      %dma_start3A_204 = tpu.memref_squeeze %dma_start3A_203 : memref<1x16xi32, #tpu.memory_space<hbm>> -> memref<16xi32, #tpu.memory_space<hbm>>
      tpu.enqueue_dma source(%arg10 : memref<16xi32, #tpu.memory_space<vmem>>) target(%dma_start3A_204 : memref<16xi32, #tpu.memory_space<hbm>>) target_semaphore(%run_scoped3A : memref<!tpu.dma_semaphore, #tpu.memory_space<semaphore_mem>>)
      %dma_wait3A_205 = arith.constant 0 : i32
      %dma_wait3A_206 = tpu.memref_slice %arg4[%add3A_22, %dma_wait3A_205] : memref<64x16xi32, #tpu.memory_space<hbm>> -> memref<1x16xi32, #tpu.memory_space<hbm>>
      %dma_wait3A_207 = tpu.memref_squeeze %dma_wait3A_206 : memref<1x16xi32, #tpu.memory_space<hbm>> -> memref<16xi32, #tpu.memory_space<hbm>>
      %dma_wait3A_208 = arith.constant 0 : i32
      %dma_wait3A_209 = tpu.memref_slice %arg4[%add3A_22, %dma_wait3A_208] : memref<64x16xi32, #tpu.memory_space<hbm>> -> memref<1x16xi32, #tpu.memory_space<hbm>>
      %dma_wait3A_210 = tpu.memref_squeeze %dma_wait3A_209 : memref<1x16xi32, #tpu.memory_space<hbm>> -> memref<16xi32, #tpu.memory_space<hbm>>
      tpu.wait_dma2 semaphore(%run_scoped3A : memref<!tpu.dma_semaphore, #tpu.memory_space<semaphore_mem>>) src(%arg10 : memref<16xi32, #tpu.memory_space<vmem>>) dst(%dma_wait3A_210 : memref<16xi32, #tpu.memory_space<hbm>>)
      tpu.yield
    }) : () -> ()
    %mul3A_100 = arith.constant 2 : i32
    %mul3A_101 = arith.muli %add3A, %mul3A_100 : i32
    %add3A_102 = arith.constant 1 : i32
    %add3A_103 = arith.addi %mul3A_101, %add3A_102 : i32
    %dma_wait3A_104 = arith.constant 0 : i32
    %dma_wait3A_105 = tpu.memref_slice %arg2[%add3A_7, %dma_wait3A_104] : memref<64x8400xf32, #tpu.memory_space<hbm>> -> memref<1x8400xf32, #tpu.memory_space<hbm>>
    %dma_wait3A_106 = tpu.memref_squeeze %dma_wait3A_105 : memref<1x8400xf32, #tpu.memory_space<hbm>> -> memref<8400xf32, #tpu.memory_space<hbm>>
    %dma_wait3A_107 = arith.constant 0 : i32
    %dma_wait3A_108 = tpu.memref_slice %arg2[%add3A_7, %dma_wait3A_107] : memref<64x8400xf32, #tpu.memory_space<hbm>> -> memref<1x8400xf32, #tpu.memory_space<hbm>>
    %dma_wait3A_109 = tpu.memref_squeeze %dma_wait3A_108 : memref<1x8400xf32, #tpu.memory_space<hbm>> -> memref<8400xf32, #tpu.memory_space<hbm>>
    tpu.wait_dma2 semaphore(%arg12 : memref<!tpu.dma_semaphore, #tpu.memory_space<semaphore_mem>>) src(%dma_wait3A_109 : memref<8400xf32, #tpu.memory_space<hbm>>) dst(%arg6 : memref<8400xf32, #tpu.memory_space<vmem>>)
    %scan3A_110 = arith.constant 0 : i32
    %scan3A_111 = arith.constant 105 : i32
    %scan3A_112 = arith.addi %scan3A_110, %scan3A_111 : i32
    %scan3A_113 = arith.constant 1 : i32
    %scan3A_114:2 = scf.for %scan3A_199 = %scan3A_110 to %scan3A_112 step %scan3A_113 iter_args(%scan3A_200 = %iota3A, %scan3A_201 = %iota3A) -> (vector<16xi32>, vector<16xi32>)  : i32 {
      %mul3A_202 = arith.constant 5 : i32
      %mul3A_203 = arith.muli %scan3A_199, %mul3A_202 : i32
      %add3A_204 = arith.constant 0 : i32
      %add3A_205 = arith.addi %mul3A_203, %add3A_204 : i32
      %mul3A_206 = arith.constant 16 : i32
      %mul3A_207 = arith.muli %add3A_205, %mul3A_206 : i32
      %get3A = arith.index_cast %mul3A_207 : i32 to index
      %get3A_208 = tpu.vector_load %arg6[%get3A] {strides = array<i32>} : memref<8400xf32, #tpu.memory_space<vmem>>, vector<16xf32>,
      %lt3A = arith.constant 1.000000e+09 : f32
      %lt3A_209 = vector.broadcast %lt3A : f32 to vector<16xf32>
      %lt3A_210 = arith.cmpf olt, %get3A_208, %lt3A_209 : vector<16xf32>
      tpu.vector_store_idx %arg7[%scan3A_200], %get3A_208 masked %lt3A_210 : memref<8416xf32, #tpu.memory_space<vmem>>[vector<16xi32>], vector<16xf32>, vector<16xi1>
      tpu.vector_store_idx %arg8[%scan3A_200], %scan3A_201 masked %lt3A_210 : memref<8416xi32, #tpu.memory_space<vmem>>[vector<16xi32>], vector<16xi32>, vector<16xi1>
      %jit3A_211 = arith.constant 16 : i32
      %jit3A_212 = arith.constant 0 : i32
      %broadcast_in_dim3A_213 = vector.broadcast %jit3A_211 : i32 to vector<16xi32>
      %broadcast_in_dim3A_214 = vector.broadcast %jit3A_212 : i32 to vector<16xi32>
      %select_n3A_215 = arith.select %lt3A_210, %broadcast_in_dim3A_213, %broadcast_in_dim3A_214 : vector<16xi1>, vector<16xi32>
      %add3A_216 = arith.addi %scan3A_200, %select_n3A_215 : vector<16xi32>
      %add3A_217 = arith.constant 16 : i32
      %add3A_218 = vector.broadcast %add3A_217 : i32 to vector<16xi32>
      %add3A_219 = arith.addi %scan3A_201, %add3A_218 : vector<16xi32>
      %mul3A_220 = arith.constant 5 : i32
      %mul3A_221 = arith.muli %scan3A_199, %mul3A_220 : i32
      %add3A_222 = arith.constant 1 : i32
      %add3A_223 = arith.addi %mul3A_221, %add3A_222 : i32
      %mul3A_224 = arith.constant 16 : i32
      %mul3A_225 = arith.muli %add3A_223, %mul3A_224 : i32
      %get3A_226 = arith.index_cast %mul3A_225 : i32 to index
      %get3A_227 = tpu.vector_load %arg6[%get3A_226] {strides = array<i32>} : memref<8400xf32, #tpu.memory_space<vmem>>, vector<16xf32>,
      %lt3A_228 = arith.constant 1.000000e+09 : f32
      %lt3A_229 = vector.broadcast %lt3A_228 : f32 to vector<16xf32>
      %lt3A_230 = arith.cmpf olt, %get3A_227, %lt3A_229 : vector<16xf32>
      tpu.vector_store_idx %arg7[%add3A_216], %get3A_227 masked %lt3A_230 : memref<8416xf32, #tpu.memory_space<vmem>>[vector<16xi32>], vector<16xf32>, vector<16xi1>
      tpu.vector_store_idx %arg8[%add3A_216], %add3A_219 masked %lt3A_230 : memref<8416xi32, #tpu.memory_space<vmem>>[vector<16xi32>], vector<16xi32>, vector<16xi1>
      %jit3A_231 = arith.constant 16 : i32
      %jit3A_232 = arith.constant 0 : i32
      %broadcast_in_dim3A_233 = vector.broadcast %jit3A_231 : i32 to vector<16xi32>
      %broadcast_in_dim3A_234 = vector.broadcast %jit3A_232 : i32 to vector<16xi32>
      %select_n3A_235 = arith.select %lt3A_230, %broadcast_in_dim3A_233, %broadcast_in_dim3A_234 : vector<16xi1>, vector<16xi32>
      %add3A_236 = arith.addi %add3A_216, %select_n3A_235 : vector<16xi32>
      %add3A_237 = arith.constant 16 : i32
      %add3A_238 = vector.broadcast %add3A_237 : i32 to vector<16xi32>
      %add3A_239 = arith.addi %add3A_219, %add3A_238 : vector<16xi32>
      %mul3A_240 = arith.constant 5 : i32
      %mul3A_241 = arith.muli %scan3A_199, %mul3A_240 : i32
      %add3A_242 = arith.constant 2 : i32
      %add3A_243 = arith.addi %mul3A_241, %add3A_242 : i32
      %mul3A_244 = arith.constant 16 : i32
      %mul3A_245 = arith.muli %add3A_243, %mul3A_244 : i32
      %get3A_246 = arith.index_cast %mul3A_245 : i32 to index
      %get3A_247 = tpu.vector_load %arg6[%get3A_246] {strides = array<i32>} : memref<8400xf32, #tpu.memory_space<vmem>>, vector<16xf32>,
      %lt3A_248 = arith.constant 1.000000e+09 : f32
      %lt3A_249 = vector.broadcast %lt3A_248 : f32 to vector<16xf32>
      %lt3A_250 = arith.cmpf olt, %get3A_247, %lt3A_249 : vector<16xf32>
      tpu.vector_store_idx %arg7[%add3A_236], %get3A_247 masked %lt3A_250 : memref<8416xf32, #tpu.memory_space<vmem>>[vector<16xi32>], vector<16xf32>, vector<16xi1>
      tpu.vector_store_idx %arg8[%add3A_236], %add3A_239 masked %lt3A_250 : memref<8416xi32, #tpu.memory_space<vmem>>[vector<16xi32>], vector<16xi32>, vector<16xi1>
      %jit3A_251 = arith.constant 16 : i32
      %jit3A_252 = arith.constant 0 : i32
      %broadcast_in_dim3A_253 = vector.broadcast %jit3A_251 : i32 to vector<16xi32>
      %broadcast_in_dim3A_254 = vector.broadcast %jit3A_252 : i32 to vector<16xi32>
      %select_n3A_255 = arith.select %lt3A_250, %broadcast_in_dim3A_253, %broadcast_in_dim3A_254 : vector<16xi1>, vector<16xi32>
      %add3A_256 = arith.addi %add3A_236, %select_n3A_255 : vector<16xi32>
      %add3A_257 = arith.constant 16 : i32
      %add3A_258 = vector.broadcast %add3A_257 : i32 to vector<16xi32>
      %add3A_259 = arith.addi %add3A_239, %add3A_258 : vector<16xi32>
      %mul3A_260 = arith.constant 5 : i32
      %mul3A_261 = arith.muli %scan3A_199, %mul3A_260 : i32
      %add3A_262 = arith.constant 3 : i32
      %add3A_263 = arith.addi %mul3A_261, %add3A_262 : i32
      %mul3A_264 = arith.constant 16 : i32
      %mul3A_265 = arith.muli %add3A_263, %mul3A_264 : i32
      %get3A_266 = arith.index_cast %mul3A_265 : i32 to index
      %get3A_267 = tpu.vector_load %arg6[%get3A_266] {strides = array<i32>} : memref<8400xf32, #tpu.memory_space<vmem>>, vector<16xf32>,
      %lt3A_268 = arith.constant 1.000000e+09 : f32
      %lt3A_269 = vector.broadcast %lt3A_268 : f32 to vector<16xf32>
      %lt3A_270 = arith.cmpf olt, %get3A_267, %lt3A_269 : vector<16xf32>
      tpu.vector_store_idx %arg7[%add3A_256], %get3A_267 masked %lt3A_270 : memref<8416xf32, #tpu.memory_space<vmem>>[vector<16xi32>], vector<16xf32>, vector<16xi1>
      tpu.vector_store_idx %arg8[%add3A_256], %add3A_259 masked %lt3A_270 : memref<8416xi32, #tpu.memory_space<vmem>>[vector<16xi32>], vector<16xi32>, vector<16xi1>
      %jit3A_271 = arith.constant 16 : i32
      %jit3A_272 = arith.constant 0 : i32
      %broadcast_in_dim3A_273 = vector.broadcast %jit3A_271 : i32 to vector<16xi32>
      %broadcast_in_dim3A_274 = vector.broadcast %jit3A_272 : i32 to vector<16xi32>
      %select_n3A_275 = arith.select %lt3A_270, %broadcast_in_dim3A_273, %broadcast_in_dim3A_274 : vector<16xi1>, vector<16xi32>
      %add3A_276 = arith.addi %add3A_256, %select_n3A_275 : vector<16xi32>
      %add3A_277 = arith.constant 16 : i32
      %add3A_278 = vector.broadcast %add3A_277 : i32 to vector<16xi32>
      %add3A_279 = arith.addi %add3A_259, %add3A_278 : vector<16xi32>
      %mul3A_280 = arith.constant 5 : i32
      %mul3A_281 = arith.muli %scan3A_199, %mul3A_280 : i32
      %add3A_282 = arith.constant 4 : i32
      %add3A_283 = arith.addi %mul3A_281, %add3A_282 : i32
      %mul3A_284 = arith.constant 16 : i32
      %mul3A_285 = arith.muli %add3A_283, %mul3A_284 : i32
      %get3A_286 = arith.index_cast %mul3A_285 : i32 to index
      %get3A_287 = tpu.vector_load %arg6[%get3A_286] {strides = array<i32>} : memref<8400xf32, #tpu.memory_space<vmem>>, vector<16xf32>,
      %lt3A_288 = arith.constant 1.000000e+09 : f32
      %lt3A_289 = vector.broadcast %lt3A_288 : f32 to vector<16xf32>
      %lt3A_290 = arith.cmpf olt, %get3A_287, %lt3A_289 : vector<16xf32>
      tpu.vector_store_idx %arg7[%add3A_276], %get3A_287 masked %lt3A_290 : memref<8416xf32, #tpu.memory_space<vmem>>[vector<16xi32>], vector<16xf32>, vector<16xi1>
      tpu.vector_store_idx %arg8[%add3A_276], %add3A_279 masked %lt3A_290 : memref<8416xi32, #tpu.memory_space<vmem>>[vector<16xi32>], vector<16xi32>, vector<16xi1>
      %jit3A_291 = arith.constant 16 : i32
      %jit3A_292 = arith.constant 0 : i32
      %broadcast_in_dim3A_293 = vector.broadcast %jit3A_291 : i32 to vector<16xi32>
      %broadcast_in_dim3A_294 = vector.broadcast %jit3A_292 : i32 to vector<16xi32>
      %select_n3A_295 = arith.select %lt3A_290, %broadcast_in_dim3A_293, %broadcast_in_dim3A_294 : vector<16xi1>, vector<16xi32>
      %add3A_296 = arith.addi %add3A_276, %select_n3A_295 : vector<16xi32>
      %add3A_297 = arith.constant 16 : i32
      %add3A_298 = vector.broadcast %add3A_297 : i32 to vector<16xi32>
      %add3A_299 = arith.addi %add3A_279, %add3A_298 : vector<16xi32>
      scf.yield %add3A_296, %add3A_299 : vector<16xi32>, vector<16xi32>
    }
    %scan3A_115 = arith.constant 105 : i32
    %shift_right_logical3A_116 = arith.constant 4 : i32
    %shift_right_logical3A_117 = vector.broadcast %shift_right_logical3A_116 : i32 to vector<16xi32>
    %shift_right_logical3A_118 = arith.shrui %scan3A_114#0, %shift_right_logical3A_117 : vector<16xi32>
    %swap3A_119 = arith.constant 0 : index
    %swap3A_120 = tpu.vector_load %arg9[%swap3A_119] {strides = array<i32>} : memref<16xi32, #tpu.memory_space<vmem>>, vector<16xi32>,
    tpu.vector_store %arg9[%swap3A_119], %shift_right_logical3A_118 {strides = array<i32>} : memref<16xi32, #tpu.memory_space<vmem>>, vector<16xi32>,
    %xor3A_121 = arith.constant 8 : i32
    %xor3A_122 = vector.broadcast %xor3A_121 : i32 to vector<16xi32>
    %xor3A_123 = arith.xori %iota3A, %xor3A_122 : vector<16xi32>
    %gather3A_124 = tpu.vector_load_idx %arg9[%xor3A_123] : memref<16xi32, #tpu.memory_space<vmem>>[vector<16xi32>], vector<16xi32>,
    %add3A_125 = arith.addi %shift_right_logical3A_118, %gather3A_124 : vector<16xi32>
    %swap3A_126 = arith.constant 0 : index
    %swap3A_127 = tpu.vector_load %arg9[%swap3A_126] {strides = array<i32>} : memref<16xi32, #tpu.memory_space<vmem>>, vector<16xi32>,
    tpu.vector_store %arg9[%swap3A_126], %add3A_125 {strides = array<i32>} : memref<16xi32, #tpu.memory_space<vmem>>, vector<16xi32>,
    %xor3A_128 = arith.constant 4 : i32
    %xor3A_129 = vector.broadcast %xor3A_128 : i32 to vector<16xi32>
    %xor3A_130 = arith.xori %iota3A, %xor3A_129 : vector<16xi32>
    %gather3A_131 = tpu.vector_load_idx %arg9[%xor3A_130] : memref<16xi32, #tpu.memory_space<vmem>>[vector<16xi32>], vector<16xi32>,
    %add3A_132 = arith.addi %add3A_125, %gather3A_131 : vector<16xi32>
    %swap3A_133 = arith.constant 0 : index
    %swap3A_134 = tpu.vector_load %arg9[%swap3A_133] {strides = array<i32>} : memref<16xi32, #tpu.memory_space<vmem>>, vector<16xi32>,
    tpu.vector_store %arg9[%swap3A_133], %add3A_132 {strides = array<i32>} : memref<16xi32, #tpu.memory_space<vmem>>, vector<16xi32>,
    %xor3A_135 = arith.constant 2 : i32
    %xor3A_136 = vector.broadcast %xor3A_135 : i32 to vector<16xi32>
    %xor3A_137 = arith.xori %iota3A, %xor3A_136 : vector<16xi32>
    %gather3A_138 = tpu.vector_load_idx %arg9[%xor3A_137] : memref<16xi32, #tpu.memory_space<vmem>>[vector<16xi32>], vector<16xi32>,
    %add3A_139 = arith.addi %add3A_132, %gather3A_138 : vector<16xi32>
    %swap3A_140 = arith.constant 0 : index
    %swap3A_141 = tpu.vector_load %arg9[%swap3A_140] {strides = array<i32>} : memref<16xi32, #tpu.memory_space<vmem>>, vector<16xi32>,
    tpu.vector_store %arg9[%swap3A_140], %add3A_139 {strides = array<i32>} : memref<16xi32, #tpu.memory_space<vmem>>, vector<16xi32>,
    %xor3A_142 = arith.constant 1 : i32
    %xor3A_143 = vector.broadcast %xor3A_142 : i32 to vector<16xi32>
    %xor3A_144 = arith.xori %iota3A, %xor3A_143 : vector<16xi32>
    %gather3A_145 = tpu.vector_load_idx %arg9[%xor3A_144] : memref<16xi32, #tpu.memory_space<vmem>>[vector<16xi32>], vector<16xi32>,
    %add3A_146 = arith.addi %add3A_139, %gather3A_145 : vector<16xi32>
    %slice3A_147 = vector.extract_strided_slice %add3A_146 {offsets = [0], sizes = [1], strides = [1]} : vector<16xi32> to vector<1xi32>
    %squeeze3A_148 = vector.extract %slice3A_147[0] : i32 from vector<1xi32>
    %masked_sort3A_149 = arith.constant dense<true> : vector<16xi1>
    %masked_sort3A_150 = arith.constant -2147483648 : i32
    %masked_sort3A_151 = vector.broadcast %masked_sort3A_150 : i32 to vector<16xi32>
    %masked_sort3A_152 = arith.xori %shift_right_logical3A_118, %masked_sort3A_151 : vector<16xi32>
    %masked_sort3A_153, %masked_sort3A_154, %masked_sort3A_155 = tpu.sort %masked_sort3A_152, %shift_right_logical3A_118 masked %masked_sort3A_149 : (vector<16xi32>, vector<16xi32>, vector<16xi1>) -> (vector<16xi1>, vector<16xi32>, vector<16xi32>)
    %masked_sort3A_156 = arith.xori %masked_sort3A_154, %masked_sort3A_151 : vector<16xi32>
    %slice3A_157 = vector.extract_strided_slice %masked_sort3A_156 {offsets = [15], sizes = [1], strides = [1]} : vector<16xi32> to vector<1xi32>
    %squeeze3A_158 = vector.extract %slice3A_157[0] : i32 from vector<1xi32>
    %broadcast_in_dim3A_159 = arith.constant 3.000000e+38 : f32
    %broadcast_in_dim3A_160 = vector.broadcast %broadcast_in_dim3A_159 : f32 to vector<16xf32>
    %broadcast_in_dim3A_161 = arith.constant -1 : i32
    %broadcast_in_dim3A_162 = vector.broadcast %broadcast_in_dim3A_161 : i32 to vector<16xi32>
    %while3A_163 = arith.constant 0 : i32
    %while3A_164 = arith.subi %squeeze3A_158, %while3A_163 : i32
    %while3A_165 = arith.addi %while3A_163, %while3A_164 : i32
    %while3A_166 = arith.constant 1 : i32
    %while3A_167 = arith.divsi %while3A_164, %while3A_166 : i32
    %while3A_168 = arith.muli %while3A_167, %while3A_166 : i32
    %while3A_169 = arith.addi %while3A_163, %while3A_168 : i32
    %while3A_170 = arith.constant 1 : i32
    %while3A_171:2 = scf.for %while3A_199 = %while3A_163 to %while3A_169 step %while3A_170 iter_args(%while3A_200 = %broadcast_in_dim3A_160, %while3A_201 = %broadcast_in_dim3A_162) -> (vector<16xf32>, vector<16xi32>)  : i32 {
      %lt3A = vector.broadcast %while3A_199 : i32 to vector<16xi32>
      %lt3A_202 = arith.cmpi slt, %lt3A, %shift_right_logical3A_118 : vector<16xi32>
      %mul3A_203 = arith.constant 16 : i32
      %mul3A_204 = arith.muli %while3A_199, %mul3A_203 : i32
      %get3A = arith.index_cast %mul3A_204 : i32 to index
      %get3A_205 = tpu.vector_load %arg7[%get3A] {strides = array<i32>} : memref<8416xf32, #tpu.memory_space<vmem>>, vector<16xf32>,
      %jit3A_206 = arith.constant 3.000000e+38 : f32
      %broadcast_in_dim3A_207 = vector.broadcast %jit3A_206 : f32 to vector<16xf32>
      %select_n3A_208 = arith.select %lt3A_202, %get3A_205, %broadcast_in_dim3A_207 : vector<16xi1>, vector<16xf32>
      %mul3A_209 = arith.constant 16 : i32
      %mul3A_210 = arith.muli %while3A_199, %mul3A_209 : i32
      %get3A_211 = arith.index_cast %mul3A_210 : i32 to index
      %get3A_212 = tpu.vector_load %arg8[%get3A_211] {strides = array<i32>} : memref<8416xi32, #tpu.memory_space<vmem>>, vector<16xi32>,
      %masked_sort3A_213 = arith.constant dense<true> : vector<16xi1>
      %masked_sort3A_214, %masked_sort3A_215, %masked_sort3A_216 = tpu.sort %select_n3A_208, %get3A_212 masked %masked_sort3A_213 : (vector<16xf32>, vector<16xi32>, vector<16xi1>) -> (vector<16xi1>, vector<16xf32>, vector<16xi32>)
      %rev3A = arith.constant 15 : i32
      %rev3A_217 = vector.broadcast %rev3A : i32 to vector<16xi32>
      %rev3A_218 = tpu.iota {dimensions = array<i32: 0>} : vector<16xi32>
      %rev3A_219 = arith.subi %rev3A_217, %rev3A_218 : vector<16xi32>
      %rev3A_220 = tpu.dynamic_gather %masked_sort3A_215[%rev3A_219] in [0] : vector<16xf32>, vector<16xi32> -> vector<16xf32>
      %rev3A_221 = arith.constant 15 : i32
      %rev3A_222 = vector.broadcast %rev3A_221 : i32 to vector<16xi32>
      %rev3A_223 = tpu.iota {dimensions = array<i32: 0>} : vector<16xi32>
      %rev3A_224 = arith.subi %rev3A_222, %rev3A_223 : vector<16xi32>
      %rev3A_225 = tpu.dynamic_gather %masked_sort3A_216[%rev3A_224] in [0] : vector<16xi32>, vector<16xi32> -> vector<16xi32>
      %lt3A_226 = arith.cmpf olt, %rev3A_220, %while3A_200 : vector<16xf32>
      %select_n3A_227 = arith.select %lt3A_226, %rev3A_220, %while3A_200 : vector<16xi1>, vector<16xf32>
      %select_n3A_228 = arith.select %lt3A_226, %rev3A_225, %while3A_201 : vector<16xi1>, vector<16xi32>
      %masked_sort3A_229 = arith.constant dense<true> : vector<16xi1>
      %masked_sort3A_230, %masked_sort3A_231, %masked_sort3A_232 = tpu.sort %select_n3A_227, %select_n3A_228 masked %masked_sort3A_229 : (vector<16xf32>, vector<16xi32>, vector<16xi1>) -> (vector<16xi1>, vector<16xf32>, vector<16xi32>)
      scf.yield %masked_sort3A_231, %masked_sort3A_232 : vector<16xf32>, vector<16xi32>
    }
    %while3A_172 = arith.constant 1 : i32
    %while3A_173:2 = scf.for %while3A_199 = %while3A_169 to %while3A_165 step %while3A_172 iter_args(%while3A_200 = %while3A_171#0, %while3A_201 = %while3A_171#1) -> (vector<16xf32>, vector<16xi32>)  : i32 {
      %lt3A = vector.broadcast %while3A_199 : i32 to vector<16xi32>
      %lt3A_202 = arith.cmpi slt, %lt3A, %shift_right_logical3A_118 : vector<16xi32>
      %mul3A_203 = arith.constant 16 : i32
      %mul3A_204 = arith.muli %while3A_199, %mul3A_203 : i32
      %get3A = arith.index_cast %mul3A_204 : i32 to index
      %get3A_205 = tpu.vector_load %arg7[%get3A] {strides = array<i32>} : memref<8416xf32, #tpu.memory_space<vmem>>, vector<16xf32>,
      %jit3A_206 = arith.constant 3.000000e+38 : f32
      %broadcast_in_dim3A_207 = vector.broadcast %jit3A_206 : f32 to vector<16xf32>
      %select_n3A_208 = arith.select %lt3A_202, %get3A_205, %broadcast_in_dim3A_207 : vector<16xi1>, vector<16xf32>
      %mul3A_209 = arith.constant 16 : i32
      %mul3A_210 = arith.muli %while3A_199, %mul3A_209 : i32
      %get3A_211 = arith.index_cast %mul3A_210 : i32 to index
      %get3A_212 = tpu.vector_load %arg8[%get3A_211] {strides = array<i32>} : memref<8416xi32, #tpu.memory_space<vmem>>, vector<16xi32>,
      %masked_sort3A_213 = arith.constant dense<true> : vector<16xi1>
      %masked_sort3A_214, %masked_sort3A_215, %masked_sort3A_216 = tpu.sort %select_n3A_208, %get3A_212 masked %masked_sort3A_213 : (vector<16xf32>, vector<16xi32>, vector<16xi1>) -> (vector<16xi1>, vector<16xf32>, vector<16xi32>)
      %rev3A = arith.constant 15 : i32
      %rev3A_217 = vector.broadcast %rev3A : i32 to vector<16xi32>
      %rev3A_218 = tpu.iota {dimensions = array<i32: 0>} : vector<16xi32>
      %rev3A_219 = arith.subi %rev3A_217, %rev3A_218 : vector<16xi32>
      %rev3A_220 = tpu.dynamic_gather %masked_sort3A_215[%rev3A_219] in [0] : vector<16xf32>, vector<16xi32> -> vector<16xf32>
      %rev3A_221 = arith.constant 15 : i32
      %rev3A_222 = vector.broadcast %rev3A_221 : i32 to vector<16xi32>
      %rev3A_223 = tpu.iota {dimensions = array<i32: 0>} : vector<16xi32>
      %rev3A_224 = arith.subi %rev3A_222, %rev3A_223 : vector<16xi32>
      %rev3A_225 = tpu.dynamic_gather %masked_sort3A_216[%rev3A_224] in [0] : vector<16xi32>, vector<16xi32> -> vector<16xi32>
      %lt3A_226 = arith.cmpf olt, %rev3A_220, %while3A_200 : vector<16xf32>
      %select_n3A_227 = arith.select %lt3A_226, %rev3A_220, %while3A_200 : vector<16xi1>, vector<16xf32>
      %select_n3A_228 = arith.select %lt3A_226, %rev3A_225, %while3A_201 : vector<16xi1>, vector<16xi32>
      %masked_sort3A_229 = arith.constant dense<true> : vector<16xi1>
      %masked_sort3A_230, %masked_sort3A_231, %masked_sort3A_232 = tpu.sort %select_n3A_227, %select_n3A_228 masked %masked_sort3A_229 : (vector<16xf32>, vector<16xi32>, vector<16xi1>) -> (vector<16xi1>, vector<16xf32>, vector<16xi32>)
      scf.yield %masked_sort3A_231, %masked_sort3A_232 : vector<16xf32>, vector<16xi32>
    }
    %eq3A_174 = arith.constant 0 : i32
    %eq3A_175 = arith.cmpi eq, %squeeze3A_148, %eq3A_174 : i32
    %convert_element_type3A_176 = arith.extui %eq3A_175 : i1 to i32
    %cond3A_177 = arith.constant 0 : i32
    %cond3A_178 = arith.constant 0 : i32
    %cond3A_179 = arith.cmpi ne, %convert_element_type3A_176, %cond3A_178 : i32
    %cond3A_180 = scf.if %cond3A_179 -> (i32) {
      %broadcast_in_dim3A_199 = arith.constant 0x7F800000 : f32
      %broadcast_in_dim3A_200 = vector.broadcast %broadcast_in_dim3A_199 : f32 to vector<16xf32>
      %broadcast_in_dim3A_201 = arith.constant 1073741824 : i32
      %broadcast_in_dim3A_202 = vector.broadcast %broadcast_in_dim3A_201 : i32 to vector<16xi32>
      %scan3A_203 = arith.constant 0 : i32
      %scan3A_204 = arith.constant 525 : i32
      %scan3A_205 = arith.addi %scan3A_203, %scan3A_204 : i32
      %scan3A_206 = arith.constant 1 : i32
      %scan3A_207:2 = scf.for %scan3A_233 = %scan3A_203 to %scan3A_205 step %scan3A_206 iter_args(%scan3A_234 = %broadcast_in_dim3A_200, %scan3A_235 = %broadcast_in_dim3A_202) -> (vector<16xf32>, vector<16xi32>)  : i32 {
        %mul3A_236 = arith.constant 16 : i32
        %mul3A_237 = arith.muli %scan3A_233, %mul3A_236 : i32
        %get3A = arith.index_cast %mul3A_237 : i32 to index
        %get3A_238 = tpu.vector_load %arg6[%get3A] {strides = array<i32>} : memref<8400xf32, #tpu.memory_space<vmem>>, vector<16xf32>,
        %mul3A_239 = arith.constant 16 : i32
        %mul3A_240 = arith.muli %scan3A_233, %mul3A_239 : i32
        %add3A_241 = vector.broadcast %mul3A_240 : i32 to vector<16xi32>
        %add3A_242 = arith.addi %add3A_241, %iota3A : vector<16xi32>
        %lt3A = arith.cmpf olt, %get3A_238, %scan3A_234 : vector<16xf32>
        %eq3A_243 = arith.cmpf oeq, %get3A_238, %scan3A_234 : vector<16xf32>
        %lt3A_244 = arith.cmpi slt, %add3A_242, %scan3A_235 : vector<16xi32>
        %and3A = arith.andi %eq3A_243, %lt3A_244 : vector<16xi1>
        %or3A = arith.ori %lt3A, %and3A : vector<16xi1>
        %select_n3A_245 = arith.select %or3A, %get3A_238, %scan3A_234 : vector<16xi1>, vector<16xf32>
        %select_n3A_246 = arith.select %or3A, %add3A_242, %scan3A_235 : vector<16xi1>, vector<16xi32>
        scf.yield %select_n3A_245, %select_n3A_246 : vector<16xf32>, vector<16xi32>
      }
      %scan3A_208 = arith.constant 525 : i32
      %masked_sort3A_209 = arith.constant dense<true> : vector<16xi1>
      %masked_sort3A_210, %masked_sort3A_211, %masked_sort3A_212 = tpu.sort %scan3A_207#0, %scan3A_207#1 masked %masked_sort3A_209 : (vector<16xf32>, vector<16xi32>, vector<16xi1>) -> (vector<16xi1>, vector<16xf32>, vector<16xi32>)
      %broadcast_in_dim3A_213 = arith.constant 0.000000e+00 : f32
      %broadcast_in_dim3A_214 = vector.broadcast %broadcast_in_dim3A_213 : f32 to vector<16xf32>
      %slice3A_215 = vector.extract_strided_slice %masked_sort3A_211 {offsets = [0], sizes = [1], strides = [1]} : vector<16xf32> to vector<1xf32>
      %squeeze3A_216 = vector.extract %slice3A_215[0] : f32 from vector<1xf32>
      %add3A_217 = vector.broadcast %squeeze3A_216 : f32 to vector<16xf32>
      %add3A_218 = arith.addf %broadcast_in_dim3A_214, %add3A_217 : vector<16xf32>
      %eq3A_219 = arith.cmpf oeq, %scan3A_207#0, %add3A_218 : vector<16xf32>
      %jit3A_220 = arith.constant 1073741824 : i32
      %broadcast_in_dim3A_221 = vector.broadcast %jit3A_220 : i32 to vector<16xi32>
      %select_n3A_222 = arith.select %eq3A_219, %scan3A_207#1, %broadcast_in_dim3A_221 : vector<16xi1>, vector<16xi32>
      %masked_sort3A_223 = arith.constant dense<true> : vector<16xi1>
      %masked_sort3A_224 = arith.constant -2147483648 : i32
      %masked_sort3A_225 = vector.broadcast %masked_sort3A_224 : i32 to vector<16xi32>
      %masked_sort3A_226 = arith.xori %select_n3A_222, %masked_sort3A_225 : vector<16xi32>
      %masked_sort3A_227, %masked_sort3A_228, %masked_sort3A_229 = tpu.sort %masked_sort3A_226, %select_n3A_222 masked %masked_sort3A_223 : (vector<16xi32>, vector<16xi32>, vector<16xi1>) -> (vector<16xi1>, vector<16xi32>, vector<16xi32>)
      %masked_sort3A_230 = arith.xori %masked_sort3A_228, %masked_sort3A_225 : vector<16xi32>
      %slice3A_231 = vector.extract_strided_slice %masked_sort3A_230 {offsets = [0], sizes = [1], strides = [1]} : vector<16xi32> to vector<1xi32>
      %squeeze3A_232 = vector.extract %slice3A_231[0] : i32 from vector<1xi32>
      scf.yield %squeeze3A_232 : i32
    } else {
      %cond3A_199 = arith.constant 0 : i32
      scf.yield %cond3A_199 : i32
    }
    %add3A_181 = vector.broadcast %squeeze3A_148 : i32 to vector<16xi32>
    %add3A_182 = arith.addi %broadcast_in_dim3A_1, %add3A_181 : vector<16xi32>
    %gt3A_183 = arith.constant 0 : i32
    %gt3A_184 = vector.broadcast %gt3A_183 : i32 to vector<16xi32>
    %gt3A_185 = arith.cmpi sgt, %add3A_182, %gt3A_184 : vector<16xi32>
    %add3A_186 = vector.broadcast %cond3A_180 : i32 to vector<16xi32>
    %add3A_187 = arith.addi %broadcast_in_dim3A_1, %add3A_186 : vector<16xi32>
    %select_n3A_188 = arith.select %gt3A_185, %while3A_173#1, %add3A_187 : vector<16xi1>, vector<16xi32>
    %swap3A_189 = arith.constant 0 : index
    %swap3A_190 = tpu.vector_load %arg9[%swap3A_189] {strides = array<i32>} : memref<16xi32, #tpu.memory_space<vmem>>, vector<16xi32>,
    tpu.vector_store %arg9[%swap3A_189], %select_n3A_188 {strides = array<i32>} : memref<16xi32, #tpu.memory_space<vmem>>, vector<16xi32>,
    "tpu.region"() ({
      %run_scoped3A = tpu.sem_alloc : memref<!tpu.dma_semaphore, #tpu.memory_space<semaphore_mem>>
      %dma_start3A_199 = arith.constant 0 : i32
      %dma_start3A_200 = tpu.memref_slice %arg3[%add3A_103, %dma_start3A_199] : memref<64x16xi32, #tpu.memory_space<hbm>> -> memref<1x16xi32, #tpu.memory_space<hbm>>
      %dma_start3A_201 = tpu.memref_squeeze %dma_start3A_200 : memref<1x16xi32, #tpu.memory_space<hbm>> -> memref<16xi32, #tpu.memory_space<hbm>>
      %dma_start3A_202 = arith.constant 0 : i32
      %dma_start3A_203 = tpu.memref_slice %arg3[%add3A_103, %dma_start3A_202] : memref<64x16xi32, #tpu.memory_space<hbm>> -> memref<1x16xi32, #tpu.memory_space<hbm>>
      %dma_start3A_204 = tpu.memref_squeeze %dma_start3A_203 : memref<1x16xi32, #tpu.memory_space<hbm>> -> memref<16xi32, #tpu.memory_space<hbm>>
      tpu.enqueue_dma source(%arg9 : memref<16xi32, #tpu.memory_space<vmem>>) target(%dma_start3A_204 : memref<16xi32, #tpu.memory_space<hbm>>) target_semaphore(%run_scoped3A : memref<!tpu.dma_semaphore, #tpu.memory_space<semaphore_mem>>)
      %dma_wait3A_205 = arith.constant 0 : i32
      %dma_wait3A_206 = tpu.memref_slice %arg3[%add3A_103, %dma_wait3A_205] : memref<64x16xi32, #tpu.memory_space<hbm>> -> memref<1x16xi32, #tpu.memory_space<hbm>>
      %dma_wait3A_207 = tpu.memref_squeeze %dma_wait3A_206 : memref<1x16xi32, #tpu.memory_space<hbm>> -> memref<16xi32, #tpu.memory_space<hbm>>
      %dma_wait3A_208 = arith.constant 0 : i32
      %dma_wait3A_209 = tpu.memref_slice %arg3[%add3A_103, %dma_wait3A_208] : memref<64x16xi32, #tpu.memory_space<hbm>> -> memref<1x16xi32, #tpu.memory_space<hbm>>
      %dma_wait3A_210 = tpu.memref_squeeze %dma_wait3A_209 : memref<1x16xi32, #tpu.memory_space<hbm>> -> memref<16xi32, #tpu.memory_space<hbm>>
      tpu.wait_dma2 semaphore(%run_scoped3A : memref<!tpu.dma_semaphore, #tpu.memory_space<semaphore_mem>>) src(%arg9 : memref<16xi32, #tpu.memory_space<vmem>>) dst(%dma_wait3A_210 : memref<16xi32, #tpu.memory_space<hbm>>)
      tpu.yield
    }) : () -> ()
    %jit3A_191 = arith.constant 1 : i32
    %jit3A_192 = arith.constant 10 : i32
    %max3A_193 = vector.broadcast %jit3A_191 : i32 to vector<16xi32>
    %max3A_194 = arith.maxsi %max3A_193, %add3A_182 : vector<16xi32>
    %min3A_195 = vector.broadcast %jit3A_192 : i32 to vector<16xi32>
    %min3A_196 = arith.minsi %min3A_195, %max3A_194 : vector<16xi32>
    %swap3A_197 = arith.constant 0 : index
    %swap3A_198 = tpu.vector_load %arg10[%swap3A_197] {strides = array<i32>} : memref<16xi32, #tpu.memory_space<vmem>>, vector<16xi32>,
    tpu.vector_store %arg10[%swap3A_197], %min3A_196 {strides = array<i32>} : memref<16xi32, #tpu.memory_space<vmem>>, vector<16xi32>,
    "tpu.region"() ({
      %run_scoped3A = tpu.sem_alloc : memref<!tpu.dma_semaphore, #tpu.memory_space<semaphore_mem>>
      %dma_start3A_199 = arith.constant 0 : i32
      %dma_start3A_200 = tpu.memref_slice %arg4[%add3A_103, %dma_start3A_199] : memref<64x16xi32, #tpu.memory_space<hbm>> -> memref<1x16xi32, #tpu.memory_space<hbm>>
      %dma_start3A_201 = tpu.memref_squeeze %dma_start3A_200 : memref<1x16xi32, #tpu.memory_space<hbm>> -> memref<16xi32, #tpu.memory_space<hbm>>
      %dma_start3A_202 = arith.constant 0 : i32
      %dma_start3A_203 = tpu.memref_slice %arg4[%add3A_103, %dma_start3A_202] : memref<64x16xi32, #tpu.memory_space<hbm>> -> memref<1x16xi32, #tpu.memory_space<hbm>>
      %dma_start3A_204 = tpu.memref_squeeze %dma_start3A_203 : memref<1x16xi32, #tpu.memory_space<hbm>> -> memref<16xi32, #tpu.memory_space<hbm>>
      tpu.enqueue_dma source(%arg10 : memref<16xi32, #tpu.memory_space<vmem>>) target(%dma_start3A_204 : memref<16xi32, #tpu.memory_space<hbm>>) target_semaphore(%run_scoped3A : memref<!tpu.dma_semaphore, #tpu.memory_space<semaphore_mem>>)
      %dma_wait3A_205 = arith.constant 0 : i32
      %dma_wait3A_206 = tpu.memref_slice %arg4[%add3A_103, %dma_wait3A_205] : memref<64x16xi32, #tpu.memory_space<hbm>> -> memref<1x16xi32, #tpu.memory_space<hbm>>
      %dma_wait3A_207 = tpu.memref_squeeze %dma_wait3A_206 : memref<1x16xi32, #tpu.memory_space<hbm>> -> memref<16xi32, #tpu.memory_space<hbm>>
      %dma_wait3A_208 = arith.constant 0 : i32
      %dma_wait3A_209 = tpu.memref_slice %arg4[%add3A_103, %dma_wait3A_208] : memref<64x16xi32, #tpu.memory_space<hbm>> -> memref<1x16xi32, #tpu.memory_space<hbm>>
      %dma_wait3A_210 = tpu.memref_squeeze %dma_wait3A_209 : memref<1x16xi32, #tpu.memory_space<hbm>> -> memref<16xi32, #tpu.memory_space<hbm>>
      tpu.wait_dma2 semaphore(%run_scoped3A : memref<!tpu.dma_semaphore, #tpu.memory_space<semaphore_mem>>) src(%arg10 : memref<16xi32, #tpu.memory_space<vmem>>) dst(%dma_wait3A_210 : memref<16xi32, #tpu.memory_space<hbm>>)
      tpu.yield
    }) : () -> ()
    return
  }
}

module attributes {stable_mosaic.version = 14 : i64} {
  func.func @_cost_body(%arg0: memref<8400x80xf32, #tpu.memory_space<vmem>>, %arg1: memref<4x8400xf32, #tpu.memory_space<vmem>>, %arg2: memref<2x8400xf32, #tpu.memory_space<vmem>>, %arg3: memref<1x64xi32, #tpu.memory_space<vmem>>, %arg4: memref<64x4xf32, #tpu.memory_space<vmem>>, %arg5: memref<64x8400xf32, #tpu.memory_space<vmem>>) attributes {dimension_semantics = [], scalar_prefetch = 0 : i64, scratch_operands = 0 : i64, tpu.core_type = #tpu.core_type<tc>} {
    %get3A = arith.constant 0 : index
    %get3A_0 = arith.constant 0 : index
    %get3A_1 = vector.load %arg0[%get3A, %get3A_0] : memref<8400x80xf32, #tpu.memory_space<vmem>>, vector<8400x80xf32>
    %logistic3A = arith.negf %get3A_1 : vector<8400x80xf32>
    %logistic3A_2 = math.exp %logistic3A : vector<8400x80xf32>
    %logistic3A_3 = arith.constant 1.000000e+00 : f32
    %logistic3A_4 = vector.broadcast %logistic3A_3 : f32 to vector<8400x80xf32>
    %logistic3A_5 = arith.addf %logistic3A_4, %logistic3A_2 : vector<8400x80xf32>
    %logistic3A_6 = arith.divf %logistic3A_4, %logistic3A_5 : vector<8400x80xf32>
    %log3A = math.log %logistic3A_6 : vector<8400x80xf32>
    %max3A = arith.constant -1.000000e+02 : f32
    %max3A_7 = vector.broadcast %max3A : f32 to vector<8400x80xf32>
    %max3A_8 = arith.maximumf %log3A, %max3A_7 : vector<8400x80xf32>
    %sub3A = arith.constant 1.000000e+00 : f32
    %sub3A_9 = vector.broadcast %sub3A : f32 to vector<8400x80xf32>
    %sub3A_10 = arith.subf %sub3A_9, %logistic3A_6 : vector<8400x80xf32>
    %log3A_11 = math.log %sub3A_10 : vector<8400x80xf32>
    %max3A_12 = arith.constant -1.000000e+02 : f32
    %max3A_13 = vector.broadcast %max3A_12 : f32 to vector<8400x80xf32>
    %max3A_14 = arith.maximumf %log3A_11, %max3A_13 : vector<8400x80xf32>
    %reduce_sum3A = arith.constant dense<0.000000e+00> : vector<8400xf32>
    %reduce_sum3A_15 = vector.multi_reduction <add>, %max3A_14, %reduce_sum3A [1] : vector<8400x80xf32> to vector<8400xf32>
    %broadcast_in_dim3A = vector.shape_cast %reduce_sum3A_15 : vector<8400xf32> to vector<8400x1xf32>
    %sub3A_16 = arith.subf %max3A_14, %max3A_8 : vector<8400x80xf32>
    %get3A_17 = arith.constant 0 : index
    %get3A_18 = arith.constant 0 : index
    %get3A_19 = vector.load %arg3[%get3A_17, %get3A_18] : memref<1x64xi32, #tpu.memory_space<vmem>>, vector<1x64xi32>
    %reshape3A = vector.shape_cast %get3A_19 : vector<1x64xi32> to vector<64x1xi32>
    %iota3A = tpu.iota {dimensions = array<i32: 1>} : vector<1x80xi32>
    %eq3A = vector.broadcast %reshape3A : vector<64x1xi32> to vector<64x80xi32>
    %eq3A_20 = vector.broadcast %iota3A : vector<1x80xi32> to vector<64x80xi32>
    %eq3A_21 = arith.cmpi eq, %eq3A, %eq3A_20 : vector<64x80xi32>
    %convert_element_type3A = arith.extui %eq3A_21 : vector<64x80xi1> to vector<64x80xi32>
    %convert_element_type3A_22 = arith.sitofp %convert_element_type3A : vector<64x80xi32> to vector<64x80xf32>
    %dot_general3A = arith.constant dense<0.000000e+00> : vector<64x8400xf32>
    %dot_general3A_23 = tpu.matmul %convert_element_type3A_22, %sub3A_16, %dot_general3A {dimension_numbers = #tpu.dot_dimension_numbers<[1], [1], [0], [0], [0, 0, 1, 0], [], []>, precision = #tpu.contract_precision<fp32>, transpose_lhs_hint = false} : vector<64x80xf32>, vector<8400x80xf32>, vector<64x8400xf32> -> vector<64x8400xf32>
    %reshape3A_24 = vector.shape_cast %broadcast_in_dim3A : vector<8400x1xf32> to vector<1x8400xf32>
    %sub3A_25 = vector.broadcast %reshape3A_24 : vector<1x8400xf32> to vector<64x8400xf32>
    %sub3A_26 = arith.subf %dot_general3A_23, %sub3A_25 : vector<64x8400xf32>
    %get3A_27 = arith.constant 0 : index
    %get3A_28 = arith.constant 0 : index
    %get3A_29 = vector.load %arg1[%get3A_27, %get3A_28] : memref<4x8400xf32, #tpu.memory_space<vmem>>, vector<1x8400xf32>
    %get3A_30 = arith.constant 1 : index
    %get3A_31 = arith.constant 0 : index
    %get3A_32 = vector.load %arg1[%get3A_30, %get3A_31] : memref<4x8400xf32, #tpu.memory_space<vmem>>, vector<1x8400xf32>
    %get3A_33 = arith.constant 2 : index
    %get3A_34 = arith.constant 0 : index
    %get3A_35 = vector.load %arg1[%get3A_33, %get3A_34] : memref<4x8400xf32, #tpu.memory_space<vmem>>, vector<1x8400xf32>
    %get3A_36 = arith.constant 3 : index
    %get3A_37 = arith.constant 0 : index
    %get3A_38 = vector.load %arg1[%get3A_36, %get3A_37] : memref<4x8400xf32, #tpu.memory_space<vmem>>, vector<1x8400xf32>
    %get3A_39 = arith.constant 0 : index
    %get3A_40 = arith.constant 0 : index
    %get3A_41 = vector.load %arg4[%get3A_39, %get3A_40] : memref<64x4xf32, #tpu.memory_space<vmem>>, vector<64x1xf32>
    %get3A_42 = arith.constant 0 : index
    %get3A_43 = arith.constant 1 : index
    %get3A_44 = vector.load %arg4[%get3A_42, %get3A_43] : memref<64x4xf32, #tpu.memory_space<vmem>>, vector<64x1xf32>
    %get3A_45 = arith.constant 0 : index
    %get3A_46 = arith.constant 2 : index
    %get3A_47 = vector.load %arg4[%get3A_45, %get3A_46] : memref<64x4xf32, #tpu.memory_space<vmem>>, vector<64x1xf32>
    %get3A_48 = arith.constant 0 : index
    %get3A_49 = arith.constant 3 : index
    %get3A_50 = vector.load %arg4[%get3A_48, %get3A_49] : memref<64x4xf32, #tpu.memory_space<vmem>>, vector<64x1xf32>
    %max3A_51 = vector.broadcast %get3A_29 : vector<1x8400xf32> to vector<64x8400xf32>
    %max3A_52 = vector.broadcast %get3A_41 : vector<64x1xf32> to vector<64x8400xf32>
    %max3A_53 = arith.maximumf %max3A_51, %max3A_52 : vector<64x8400xf32>
    %max3A_54 = vector.broadcast %get3A_32 : vector<1x8400xf32> to vector<64x8400xf32>
    %max3A_55 = vector.broadcast %get3A_44 : vector<64x1xf32> to vector<64x8400xf32>
    %max3A_56 = arith.maximumf %max3A_54, %max3A_55 : vector<64x8400xf32>
    %min3A = vector.broadcast %get3A_35 : vector<1x8400xf32> to vector<64x8400xf32>
    %min3A_57 = vector.broadcast %get3A_47 : vector<64x1xf32> to vector<64x8400xf32>
    %min3A_58 = arith.minimumf %min3A, %min3A_57 : vector<64x8400xf32>
    %min3A_59 = vector.broadcast %get3A_38 : vector<1x8400xf32> to vector<64x8400xf32>
    %min3A_60 = vector.broadcast %get3A_50 : vector<64x1xf32> to vector<64x8400xf32>
    %min3A_61 = arith.minimumf %min3A_59, %min3A_60 : vector<64x8400xf32>
    %sub3A_62 = arith.subf %min3A_58, %max3A_53 : vector<64x8400xf32>
    %max3A_63 = arith.constant 0.000000e+00 : f32
    %max3A_64 = vector.broadcast %max3A_63 : f32 to vector<64x8400xf32>
    %max3A_65 = arith.maximumf %sub3A_62, %max3A_64 : vector<64x8400xf32>
    %sub3A_66 = arith.subf %min3A_61, %max3A_56 : vector<64x8400xf32>
    %max3A_67 = arith.constant 0.000000e+00 : f32
    %max3A_68 = vector.broadcast %max3A_67 : f32 to vector<64x8400xf32>
    %max3A_69 = arith.maximumf %sub3A_66, %max3A_68 : vector<64x8400xf32>
    %mul3A = arith.mulf %max3A_65, %max3A_69 : vector<64x8400xf32>
    %sub3A_70 = arith.subf %get3A_35, %get3A_29 : vector<1x8400xf32>
    %sub3A_71 = arith.subf %get3A_38, %get3A_32 : vector<1x8400xf32>
    %mul3A_72 = arith.mulf %sub3A_70, %sub3A_71 : vector<1x8400xf32>
    %sub3A_73 = arith.subf %get3A_47, %get3A_41 : vector<64x1xf32>
    %sub3A_74 = arith.subf %get3A_50, %get3A_44 : vector<64x1xf32>
    %mul3A_75 = arith.mulf %sub3A_73, %sub3A_74 : vector<64x1xf32>
    %add3A = vector.broadcast %mul3A_72 : vector<1x8400xf32> to vector<64x8400xf32>
    %add3A_76 = vector.broadcast %mul3A_75 : vector<64x1xf32> to vector<64x8400xf32>
    %add3A_77 = arith.addf %add3A, %add3A_76 : vector<64x8400xf32>
    %sub3A_78 = arith.subf %add3A_77, %mul3A : vector<64x8400xf32>
    %add3A_79 = arith.constant 9.99999997E-7 : f32
    %add3A_80 = vector.broadcast %add3A_79 : f32 to vector<64x8400xf32>
    %add3A_81 = arith.addf %sub3A_78, %add3A_80 : vector<64x8400xf32>
    %div3A = arith.divf %mul3A, %add3A_81 : vector<64x8400xf32>
    %get3A_82 = arith.constant 0 : index
    %get3A_83 = arith.constant 0 : index
    %get3A_84 = vector.load %arg2[%get3A_82, %get3A_83] : memref<2x8400xf32, #tpu.memory_space<vmem>>, vector<1x8400xf32>
    %get3A_85 = arith.constant 1 : index
    %get3A_86 = arith.constant 0 : index
    %get3A_87 = vector.load %arg2[%get3A_85, %get3A_86] : memref<2x8400xf32, #tpu.memory_space<vmem>>, vector<1x8400xf32>
    %ge3A = vector.broadcast %get3A_84 : vector<1x8400xf32> to vector<64x8400xf32>
    %ge3A_88 = vector.broadcast %get3A_41 : vector<64x1xf32> to vector<64x8400xf32>
    %ge3A_89 = arith.cmpf oge, %ge3A, %ge3A_88 : vector<64x8400xf32>
    %le3A = vector.broadcast %get3A_84 : vector<1x8400xf32> to vector<64x8400xf32>
    %le3A_90 = vector.broadcast %get3A_47 : vector<64x1xf32> to vector<64x8400xf32>
    %le3A_91 = arith.cmpf ole, %le3A, %le3A_90 : vector<64x8400xf32>
    %and3A = arith.andi %ge3A_89, %le3A_91 : vector<64x8400xi1>
    %ge3A_92 = vector.broadcast %get3A_87 : vector<1x8400xf32> to vector<64x8400xf32>
    %ge3A_93 = vector.broadcast %get3A_44 : vector<64x1xf32> to vector<64x8400xf32>
    %ge3A_94 = arith.cmpf oge, %ge3A_92, %ge3A_93 : vector<64x8400xf32>
    %and3A_95 = arith.andi %and3A, %ge3A_94 : vector<64x8400xi1>
    %le3A_96 = vector.broadcast %get3A_87 : vector<1x8400xf32> to vector<64x8400xf32>
    %le3A_97 = vector.broadcast %get3A_50 : vector<64x1xf32> to vector<64x8400xf32>
    %le3A_98 = arith.cmpf ole, %le3A_96, %le3A_97 : vector<64x8400xf32>
    %and3A_99 = arith.andi %and3A_95, %le3A_98 : vector<64x8400xi1>
    %add3A_100 = arith.addf %get3A_41, %get3A_47 : vector<64x1xf32>
    %div3A_101 = arith.constant 2.000000e+00 : f32
    %div3A_102 = vector.broadcast %div3A_101 : f32 to vector<64x1xf32>
    %div3A_103 = arith.divf %add3A_100, %div3A_102 : vector<64x1xf32>
    %add3A_104 = arith.addf %get3A_44, %get3A_50 : vector<64x1xf32>
    %div3A_105 = arith.constant 2.000000e+00 : f32
    %div3A_106 = vector.broadcast %div3A_105 : f32 to vector<64x1xf32>
    %div3A_107 = arith.divf %add3A_104, %div3A_106 : vector<64x1xf32>
    %sub3A_108 = arith.subf %get3A_47, %get3A_41 : vector<64x1xf32>
    %mul3A_109 = arith.constant 2.500000e+00 : f32
    %mul3A_110 = vector.broadcast %mul3A_109 : f32 to vector<64x1xf32>
    %mul3A_111 = arith.mulf %mul3A_110, %sub3A_108 : vector<64x1xf32>
    %sub3A_112 = arith.subf %get3A_50, %get3A_44 : vector<64x1xf32>
    %mul3A_113 = arith.constant 2.500000e+00 : f32
    %mul3A_114 = vector.broadcast %mul3A_113 : f32 to vector<64x1xf32>
    %mul3A_115 = arith.mulf %mul3A_114, %sub3A_112 : vector<64x1xf32>
    %sub3A_116 = arith.subf %div3A_103, %mul3A_111 : vector<64x1xf32>
    %ge3A_117 = vector.broadcast %get3A_84 : vector<1x8400xf32> to vector<64x8400xf32>
    %ge3A_118 = vector.broadcast %sub3A_116 : vector<64x1xf32> to vector<64x8400xf32>
    %ge3A_119 = arith.cmpf oge, %ge3A_117, %ge3A_118 : vector<64x8400xf32>
    %add3A_120 = arith.addf %div3A_103, %mul3A_111 : vector<64x1xf32>
    %le3A_121 = vector.broadcast %get3A_84 : vector<1x8400xf32> to vector<64x8400xf32>
    %le3A_122 = vector.broadcast %add3A_120 : vector<64x1xf32> to vector<64x8400xf32>
    %le3A_123 = arith.cmpf ole, %le3A_121, %le3A_122 : vector<64x8400xf32>
    %and3A_124 = arith.andi %ge3A_119, %le3A_123 : vector<64x8400xi1>
    %sub3A_125 = arith.subf %div3A_107, %mul3A_115 : vector<64x1xf32>
    %ge3A_126 = vector.broadcast %get3A_87 : vector<1x8400xf32> to vector<64x8400xf32>
    %ge3A_127 = vector.broadcast %sub3A_125 : vector<64x1xf32> to vector<64x8400xf32>
    %ge3A_128 = arith.cmpf oge, %ge3A_126, %ge3A_127 : vector<64x8400xf32>
    %and3A_129 = arith.andi %and3A_124, %ge3A_128 : vector<64x8400xi1>
    %add3A_130 = arith.addf %div3A_107, %mul3A_115 : vector<64x1xf32>
    %le3A_131 = vector.broadcast %get3A_87 : vector<1x8400xf32> to vector<64x8400xf32>
    %le3A_132 = vector.broadcast %add3A_130 : vector<64x1xf32> to vector<64x8400xf32>
    %le3A_133 = arith.cmpf ole, %le3A_131, %le3A_132 : vector<64x8400xf32>
    %and3A_134 = arith.andi %and3A_129, %le3A_133 : vector<64x8400xi1>
    %and3A_135 = arith.andi %and3A_99, %and3A_134 : vector<64x8400xi1>
    %mul3A_136 = arith.constant 1.000000e+00 : f32
    %mul3A_137 = vector.broadcast %mul3A_136 : f32 to vector<64x8400xf32>
    %mul3A_138 = arith.mulf %mul3A_137, %sub3A_26 : vector<64x8400xf32>
    %log3A_139 = math.log %div3A : vector<64x8400xf32>
    %neg3A = arith.constant 0.000000e+00 : f32
    %neg3A_140 = vector.broadcast %neg3A : f32 to vector<64x8400xf32>
    %neg3A_141 = arith.subf %neg3A_140, %log3A_139 : vector<64x8400xf32>
    %mul3A_142 = arith.constant 3.000000e+00 : f32
    %mul3A_143 = vector.broadcast %mul3A_142 : f32 to vector<64x8400xf32>
    %mul3A_144 = arith.mulf %mul3A_143, %neg3A_141 : vector<64x8400xf32>
    %add3A_145 = arith.addf %mul3A_138, %mul3A_144 : vector<64x8400xf32>
    %jit3A = arith.constant 0.000000e+00 : f32
    %jit3A_146 = arith.constant 1.000000e+00 : f32
    %broadcast_in_dim3A_147 = vector.broadcast %jit3A : f32 to vector<64x8400xf32>
    %broadcast_in_dim3A_148 = vector.broadcast %jit3A_146 : f32 to vector<64x8400xf32>
    %select_n3A = arith.select %and3A_135, %broadcast_in_dim3A_147, %broadcast_in_dim3A_148 : vector<64x8400xi1>, vector<64x8400xf32>
    %mul3A_149 = arith.constant 1.000000e+10 : f32
    %mul3A_150 = vector.broadcast %mul3A_149 : f32 to vector<64x8400xf32>
    %mul3A_151 = arith.mulf %select_n3A, %mul3A_150 : vector<64x8400xf32>
    %add3A_152 = arith.addf %add3A_145, %mul3A_151 : vector<64x8400xf32>
    %swap3A = arith.constant 0 : index
    %swap3A_153 = arith.constant 0 : index
    %swap3A_154 = vector.load %arg5[%swap3A, %swap3A_153] : memref<64x8400xf32, #tpu.memory_space<vmem>>, vector<64x8400xf32>
    tpu.vector_store %arg5[%swap3A, %swap3A_153], %add3A_152 {strides = array<i32>} : memref<64x8400xf32, #tpu.memory_space<vmem>>, vector<64x8400xf32>,
    return
  }
}

</mosaic_0001>

<sc_bundles>
// kernel: kernel.5.cloned.1.call-start
scs
__scs_entry_jumppad:
0x0: {  	(pc) =	sbr.rel $0x88, $3  }
0x1: {  	(tag) =	ssettag $0x0;
	lr =	simm.s32 $0x1  }
0x2: {  	[smem:$0x3F9C] =	sst lr;
	_ =	strace $0xD0000000  }
0x3: {  	_ = 	snop  }
0x4: {  	_ = 	snop  }
0x5: {  	_ = 	snop  }
0x6: {  	_ = 	snop  }
0x7: {  	_ = 	snop  }
__scs_overlays_trampoline_lowered:
0x8: {  	[smem:$0x3FAB] =	sst s0  }
0x9: {  	[smem:$0x3FAC] =	sst s1  }
0xa: {  	[smem:$0x3FAD] =	sst s2  }
0xb: {  	[smem:$0x3FAE] =	sst s3  }
0xc: {  	[smem:$0x3FAF] =	sst s4  }
0xd: {  	[smem:$0x3FB0] =	sst s5  }
0xe: {  	[smem:$0x3FB1] =	sst s6  }
0xf: {  	[smem:$0x3FB2] =	sst s7  }
0x10: {  	[smem:$0x3FB3] =	sst s8  }
0x11: {  	[smem:$0x3FB4] =	sst s9;
	s0 =	simm.s32 @!p0 $0x0  }
0x12: {  	s1 =	sld [smem:$0x3F9A];
	s0 =	simm.s32 @p0 $0x1  }
0x13: {  	[smem:$0x3FB5] =	sst s0;
	s0 =	simm.s32 @!p1 $0x0  }
0x14: {  	s2 =	sld [smem:$0x3F99];
	s0 =	simm.s32 @p1 $0x1  }
0x15: {  	[smem:$0x3FB6] =	sst s0;
	s0 =	simm.s32 @!p2 $0x0  }
0x16: {  	s3 =	sld [smem:$0x3FDB];
	s0 =	simm.s32 @p2 $0x1  }
0x17: {  	s4 =	simm.s32 $0x1BF5;
	[smem:$0x3FB8] =	sst s0  }
0x18: {  	s0 =	sld [smem:$0x3F9B];
	_ =	swait.ge [sflag:s4], $0x0  }
0x19: {  	s7 =	sld [smem:$0x3F9C]  }
0x1a: {  	s8 =	sadd.s32 $0xFFFFE003, lr  }
0x1b: {  	s9 =	sadd.s32 $0xFFFFFEF7, lr;
	s5 =	simm.s32 $0xFFFFFFFF;
	p2 =	slt.u32 s8, $0xFFFFF086  }
0x1c: {  	p1 =	slt.u32 s9, $0xF7A;
	s5 =	simm.s32 @!p2 $0x0  }
0x1d: {  	s5 =	simm.s32 @p1 $0x1;
	p0 =	seq.s32 s7, s2  }
0x1e: {  	s7 =	smul.u32 @!p0 $0xF7A, s2;
	p2 =	seq.s32 @!p0 s5, $0x0  }
0x1f: {  	s9 =	smul.u32 $0xF7A, s1;
	s8 =	simm.s32 @!p0 $0x1BF5;
	p2 =	por !p2, p0  }
0x20: {  	[sflag:s8] =	ssyncset.s32 @!p0 $0xFFFFF086;
	s6 =	sadd.s32 @!p0 s3, s7;
	s7 =	simm.s32 @!p0 $0x108  }
0x21: {  	s3 =	sadd.s32 s3, s9;
	s6 =	sadd.s32 @!p0 $0x88, s6;
	s7 =	simm.s32 @p2 $0x1082  }
0x22: {  	[simem:s7], [sflag:s8] =	dma.local @!p0 [hbm:s6], $0xF7A  }
0x23: {  	s9 =	sor.u32 $0xD0000000, s2;
	s6 =	simm.s32 $0x108;
	_ =	swait.ge @!p0 [sflag:s8], $0x0  }
0x24: {  	s3 =	sadd.s32 $0x88, s3;
	s6 =	simm.s32 @!p1 $0x1082;
	[sflag:s4] =	ssyncset.s32 $0xFFFFF086  }
0x25: {  	[simem:s6], [sflag:s4] =	dma.local [hbm:s3], $0xF7A  }
0x26: {  	[smem:$0x3F9C] =	sst s1;
	(tag) =	ssettag s2;
	_ =	strace s9  }
0x27: {  	s1 =	sld [smem:$0x3FAC]  }
0x28: {  	s2 =	sld [smem:$0x3FAD]  }
0x29: {  	s4 =	sld [smem:$0x3FAF]  }
0x2a: {  	p0 =	seq.s32 s5, $0x0;
	s5 =	sld [smem:$0x3FB0]  }
0x2b: {  	s6 =	sld [smem:$0x3FB1]  }
0x2c: {  	s7 =	sld [smem:$0x3FB2]  }
0x2d: {  	s3 =	simm.s32 $0x108;
	s8 =	sld [smem:$0x3FB3]  }
0x2e: {  	s3 =	simm.s32 @!p0 $0x1082;
	s9 =	sld [smem:$0x3FB4]  }
0x2f: {  	lr =	sadd.s32 s0, s3;
	s0 =	sld [smem:$0x3FAB]  }
0x30: {  	s3 =	sld [smem:$0x3FAE]  }
0x31: {  	[smem:$0x3FB7] =	sst s10  }
0x32: {  	s10 =	sld [smem:$0x3FB5];
	_ =	sdelay $0x3  }
0x33: {  	p0 =	seq.s32 s10, $0x1;
	s10 =	sld [smem:$0x3FB7];
	_ =	sdelay $0x3  }
0x34: {  	[smem:$0x3FB7] =	sst s10  }
0x35: {  	s10 =	sld [smem:$0x3FB6];
	_ =	sdelay $0x3  }
0x36: {  	p1 =	seq.s32 s10, $0x1;
	s10 =	sld [smem:$0x3FB7];
	_ =	sdelay $0x3  }
0x37: {  	[smem:$0x3FB7] =	sst s10  }
0x38: {  	s10 =	sld [smem:$0x3FB8]  }
0x39: {  	_ = 	snop;
	(pc) =	sbr.ind lr, $3  }
0x3a: {  	_ = 	snop  }
0x3b: {  	_ = 	snop  }
0x3c: {  	p2 =	seq.s32 s10, $0x1;
	s10 =	sld [smem:$0x3FB7]  }
0x3d: {  	_ =	shalt  }
0x3e: {  	_ =	shalt  }
0x3f: {  	_ =	shalt  }
0x40: {  	_ =	shalt  }
0x41: {  	_ =	shalt  }
0x42: {  	_ =	shalt  }
0x43: {  	_ =	shalt  }
0x44: {  	_ =	shalt  }
0x45: {  	_ =	shalt  }
0x46: {  	_ =	shalt  }
0x47: {  	_ =	shalt  }
0x48: {  	_ =	shalt  }
0x49: {  	_ =	shalt  }
0x4a: {  	_ =	shalt  }
0x4b: {  	_ =	shalt  }
0x4c: {  	_ =	shalt  }
0x4d: {  	_ =	shalt  }
0x4e: {  	_ =	shalt  }
0x4f: {  	_ =	shalt  }
0x50: {  	_ =	shalt  }
0x51: {  	_ =	shalt  }
0x52: {  	_ =	shalt  }
0x53: {  	_ =	shalt  }
0x54: {  	_ =	shalt  }
0x55: {  	_ =	shalt  }
0x56: {  	_ =	shalt  }
0x57: {  	_ =	shalt  }
0x58: {  	_ =	shalt  }
0x59: {  	_ =	shalt  }
0x5a: {  	_ =	shalt  }
0x5b: {  	_ =	shalt  }
0x5c: {  	_ =	shalt  }
0x5d: {  	_ =	shalt  }
0x5e: {  	_ =	shalt  }
0x5f: {  	_ =	shalt  }
0x60: {  	_ =	shalt  }
0x61: {  	_ =	shalt  }
0x62: {  	_ =	shalt  }
0x63: {  	_ =	shalt  }
0x64: {  	_ =	shalt  }
0x65: {  	_ =	shalt  }
0x66: {  	_ =	shalt  }
0x67: {  	_ =	shalt  }
0x68: {  	_ =	shalt  }
0x69: {  	_ =	shalt  }
0x6a: {  	_ =	shalt  }
0x6b: {  	_ =	shalt  }
0x6c: {  	_ =	shalt  }
0x6d: {  	_ =	shalt  }
0x6e: {  	_ =	shalt  }
0x6f: {  	_ =	shalt  }
0x70: {  	_ =	shalt  }
0x71: {  	_ =	shalt  }
0x72: {  	_ =	shalt  }
0x73: {  	_ =	shalt  }
0x74: {  	_ =	shalt  }
0x75: {  	_ =	shalt  }
0x76: {  	_ =	shalt  }
0x77: {  	_ =	shalt  }
0x78: {  	_ =	shalt  }
0x79: {  	_ =	shalt  }
0x7a: {  	_ =	shalt  }
0x7b: {  	_ =	shalt  }
0x7c: {  	_ =	shalt  }
0x7d: {  	_ =	shalt  }
0x7e: {  	_ =	shalt  }
0x7f: {  	_ =	shalt  }
0x80: {  	_ =	shalt  }
0x81: {  	_ =	shalt  }
0x82: {  	_ =	shalt  }
0x83: {  	_ =	shalt  }
0x84: {  	_ =	shalt  }
0x85: {  	_ =	shalt  }
0x86: {  	_ =	shalt  }
0x87: {  	_ =	shalt  }
.Lfunc_end0:
.L_simem_size_0:
called_computation_lowered:
.L_overlay_start_0:
0x88: {  	s2 =	sld [smem:$0x3FD9]  }
0x89: {  	s3 =	sld [smem:$0x3FFE];
	_ =	sdelay $0x1  }
0x8a: {  	s1 =	srdreg.scid  }
0x8b: {  	s0 =	sand.u32 $0x1, s1  }
0x8c: {  	s14 =	sshll.u32 s0, $0xA;
	s2 =	sadd.s32 s3, s2  }
0x8d: {  	s2 =	sadd.s32 s2, s14  }
0x8e: {  	[smem:$0x3FC3] =	sst s2  }
0x8f: {  	_ = 	snop  }
0x90: {  	s2 =	sld [smem:$0x3FD0];
	_ =	sdelay $0x2  }
0x91: {  	s15 =	simm.s32 $0xA;
	s4 =	simm.s32 $0x10  }
0x92: {  	[smem:s4], [sflag:s15] =	dma.local [hbm:s2], $0x1  }
0x93: {  	_ =	swait.eq [sflag:s15], $0x1  }
0x94: {  	[sflag:s15] =	ssyncset.done $0x0  }
0x95: {  	s16 =	sld [smem:$0x11];
	[sflag:s15] =	ssyncadd.s32 $0xFFFFFFFF  }
0x96: {  	s17 =	sld [smem:$0x12];
	(tm) =	ssettm $0x1  }
0x97: {  	s18 =	sld [smem:$0x3FFB];
	_ =	sdelay $0x3  }
0x98: {  	_ =	strace s18  }
0x99: {  	s4 =	sld [smem:$0x3FFC];
	_ =	sdelay $0x3  }
0x9a: {  	_ =	strace s4  }
0x9b: {  	s4 =	sld [smem:$0x3FFD];
	_ =	sdelay $0x3  }
0x9c: {  	_ =	strace s4  }
0x9d: {  	_ =	strace $0x8FFFFFFF  }
0x9e: {  	s19 =	sld [smem:$0x3FDB];
	_ =	sdelay $0x1  }
0x9f: {  	s5 =	simm.s32 $_scs_section_size  }
0xa0: {  	s6 =	simm.s32 $_size__tile_overlayer_lowered;
	s7 =	simm.s32 $_tile_overlayer_lowered  }
0xa1: {  	s22 =	simm.s32 $0x1BFF;
	s21 =	sshll.u32 s7, $0x1;
	s4 =	sadd.s32 s5, s19  }
0xa2: {  	s8 =	simm.s32 $0x0;
	s20 =	sshll.u32 s6, $0x1;
	s6 =	sadd.s32 s21, s4  }
0xa3: {  	[timem:s8], [sflag:s22] =	dma.local [hbm:s6], s20  }
0xa4: {  	_ =	swait.ge [sflag:s22], s20  }
0xa5: {  	s5 =	ssub.s32 $0x0, s20;
	[sflag:s22] =	ssyncset.done $0x0  }
0xa6: {  	[sflag:s22] =	ssyncadd.s32 s5;
	_ =	sdelay $0x1  }
0xa7: {  	s23 =	simm.s32 $0x1B8B  }
0xa8: {  	_ =	swait.ge [sflag:s23], $0x1  }
0xa9: {  	[sflag:s23] =	ssyncset.done $0x0  }
0xaa: {  	s25 =	simm.s32 $0x1B8E;
	s24 =	sld [smem:$0x3FFE];
	[sflag:s23] =	ssyncadd.s32 $0xFFFFFFFF  }
0xab: {  	s26 =	simm.s32 $execute0_lowered;
	[smem:$0x3FD2] =	sst s25  }
0xac: {  	s6 =	sshll.u32 s26, $0x1;
	_ =	strace $0x80000046;
	[dreg:$0x1] =	wrdreg $0xFFFFFFFF  }
0xad: {  	s28 =	simm.s32 $_size_execute0_lowered;
	s4 =	sadd.s32 s4, s6;
	[dreg:$0x0] =	wrdreg $0x0  }
0xae: {  	s6 =	sshll.u32 s28, $0x1;
	[dreg:$0x2] =	wrdreg s4  }
0xaf: {  	[dreg:$0x3] =	wrdreg s6  }
0xb0: {  	[dreg:$0x4] =	wrdreg $0xC0  }
0xb1: {  	_ =	task [dreg:s8], $0x5FFFF  }
0xb2: {  	[dreg:$0x1] =	wrdreg $0xFFFFFFFF  }
0xb3: {  	[dreg:$0x0] =	wrdreg $0x60  }
0xb4: {  	[dreg:$0x2] =	wrdreg s17  }
0xb5: {  	[dreg:$0x3] =	wrdreg s16  }
0xb6: {  	[dreg:$0x4] =	wrdreg s24  }
0xb7: {  	[dreg:$0x5] =	wrdreg $0x9  }
0xb8: {  	_ =	task.clear_ibuf [dreg:s8], $0x6FFFF;
	_ =	strace $0x90000046  }
0xb9: {  	s29 =	simm.s32 $0x9;
	_ =	strace $0x80000048  }
0xba: {  	_ =	swait.ge [sflag:s29], $0x1  }
0xbb: {  	[sflag:s29] =	ssyncadd.s32 $0xFFFFFFFF  }
0xbc: {  	_ =	strace $0x90000048  }
0xbd: {  	_ =	sfence  }
0xbe: {  	s30 =	sld [smem:$0x0];
	_ =	sdelay $0x2  }
0xbf: {  	s31 =	sshll.u32 s1, $0xD;
	s1 =	sshrl.u32 s1, $0x2  }
0xc0: {  	s3 =	sand.u32 $0x4000, s31;
	s1 =	sadd.s32 s1, s30  }
0xc1: {  	s0 =	sor.u32 s3, s0;
	s1 =	sshll.u32 s1, $0x11  }
0xc2: {  	s0 =	sor.u32 s1, s0  }
0xc3: {  	s0 =	sadd.s32 $0x8F2B, s0  }
0xc4: {  	[sflag:s0] =	ssyncadd.remote.s32 $0x1  }
0xc5: {  	_ =	sfence.sel $0xFFFF  }
0xc6: {  	[dreg:$0x0] =	wrdreg $0xFFFFFFFF;
	(pc) =	sbr.abs _section_cstart, $3  }
0xc7: {  	[dreg:$0x1] =	wrdreg $0xFFFFFFFF  }
0xc8: {  	_ =	task.clear_ibuf [dreg:s8], $0x2FFFF;
	_ =	strace $0x9FFFFFFF  }
0xc9: {  	(tm) =	ssettm $0x7FFFFFFF  }
tec
execute0_lowered:
.L_overlay_start_1:
0x0: {  	(tag) =	ssettag $0x1  }
0x1: {  	s4 =	rddreg [dreg:$0x0]  }
0x2: {  	s7 =	rddreg [dreg:$0x1]  }
0x3: {  	s3 =	rddreg [dreg:$0x2]  }
0x4: {  	s0 =	rddreg [dreg:$0x3]  }
0x5: {  	s2 =	simm.s32 $0x0;
	s5 =	srdreg.scid;
	s1 =	stileid.u32  }
0x6: {  	v0 =	vimm.s32 $0xBA98FEDC;
	v1 =	vimm.s32 $0x32107654;
	s13 =	simm.s32 $0x1;
	s14 =	simm.s32 $0x4200;
	s15 =	simm.s32 $0x6300  }
0x7: {  	s16 =	simm.s32 $0x8400;
	s17 =	simm.s32 $0x3;
	s18 =	simm.s32 $0x8480;
	v0 =	vunpack.c.l.s4.s8 v0;
	v1 =	vunpack.c.l.s4.s8 v1  }
0x8: {  	v2 =	vimm.s32 $0x76543210;
	s19 =	simm.s32 $0x2;
	s20 =	simm.s32 $0x0;
	[smem:$0x7FF] =	sst s2  }
0x9: {  	v3 =	vimm.s32 $0xFEDCBA98;
	s5 =	sand.u32 $0x1, s5;
	s8 =	sshll.u32 s1, $0x9;
	s9 =	sshrl.u32 s1, $0x1;
	v0 =	vunpack.c.0.s8.s32 v0;
	v1 =	vunpack.c.0.s8.s32 v1  }
0xa: {  	v4 =	vimm.s32 $0xDCFE98BA;
	s11 =	sadd.s32 $0x1400, s3;
	_ =	strace $0x80000047;
	s6 =	ssub.s32 $0x2, s5  }
0xb: {  	v6 =	vimm.s32 $0x67452301;
	s5 =	sshll.u32 s5, $0x8;
	s8 =	sand.u32 $0x200, s8;
	s10 =	smul.u32 $0x10800, s9;
	v5 =	vcombine.low v1, v0;
	v1 =	vimm.s32 $0x54761032  }
0xc: {  	s29 =	sshll.u32 s9, $0xA;
	s25 =	sshrl.u32 s6, $0x1;
	s5 =	sor.u32 s5, s8;
	v0 =	vunpack.c.l.s4.s8 v4;
	v4 =	vimm.s32 $0xEFCDAB89;
	v1 =	vunpack.c.l.s4.s8 v1  }
0xd: {  	v3 =	vunpack.c.l.s4.s8 v3;
	v6 =	vunpack.c.l.s4.s8 v6;
	s12 =	ssub.s32 s6, s25;
	s26 =	sor.u32 s10, s5;
	s28 =	sor.u32 $0x80, s5;
	v4 =	vunpack.c.l.s4.s8 v4  }
0xe: {  	v2 =	vunpack.c.l.s4.s8 v2;
	s5 =	sor.u32 s29, s5;
	s3 =	sshrl.u32 s26, $0x3;
	s30 =	sor.u32 s10, s28;
	v0 =	vunpack.c.0.s8.s32 v0;
	v1 =	vunpack.c.0.s8.s32 v1  }
.Ltmp0:
0xf: {  	v3 =	vunpack.c.0.s8.s32 v3;
	v6 =	vunpack.c.0.s8.s32 v6;
	s31 =	sshrl.u32 s5, $0x3;
	s6 =	sor.u32 s29, s28;
	v4 =	vunpack.c.0.s8.s32 v4;
	(pc) =	sbr.rel .LBB2_1-.Ltmp0, $4  }
0x10: {  	v2 =	vunpack.c.0.s8.s32 v2;
	s10 =	simm.s32 $0x80;
	s3 =	sadd.s32 s4, s3;
	s9 =	sshrl.u32 s30, $0x3;
	v7 =	vcombine.low v1, v0;
	v0 =	vlaneseq.u32  }
0x11: {  	s5 =	sadd.s32 s7, s31;
	s8 =	sshrl.u32 s6, $0x3;
	s6 =	sadd.s32 s11, s31;
	v1 =	vand.u32 $0xF, v3;
	v6 =	vcombine.low v6, v4;
	v8 =	vmul.u32 $0xFFFFFFFF, v0  }
0x12: {  	s4 =	sadd.s32 s4, s9;
	s7 =	sadd.s32 s7, s8;
	s8 =	sadd.s32 s11, s8;
	v3 =	vand.u32 $0xF, v5;
	v1 =	vcombine.low v1, v2;
	v2 =	vimm.s32 $0x0  }
0x13: {  	s9 =	smax.u32 s12, $0x1;
	s11 =	simm.s32 $0x400;
	s12 =	simm.s32 $0x2100;
	v4 =	vand.u32 $0xF, v7;
	v5 =	vand.u32 $0xF, v6;
	v6 =	vadd.s32 $0xF, v8  }
.LBB2_25:
0x14: {  	v7 =	vbroadcast v7, $0x0;
	_ =	sdelay $0x1  }
0x15: {  	vm0 =	vgt.s32 v7, $0x0  }
0x16: {  	v8 =	vnsel vm0, s21, v8  }
0x17: {  	[tilespmem:$0x8400] =	vst v8  }
0x18: {  	[hbm4b:s7+s2] =	stream.linear.scatter [tilespmem:s16], [sflag:$0x3], $0x80, $0x38;
	[tilespmem:$0x8500] =	vst v63  }
0x19: {  	vm15 =	vgt.s32 v7, $0x1;
	_ =	swait.ge [sflag:s17], $0x80  }
0x1a: {  	s20 =	sadd.s32 $0x1, s20;
	v7 =	vnsel vm15, $0x1, v7;
	[sflag:s17] =	ssyncset.done $0x0  }
0x1b: {  	p0 =	sne.s32 s20, s9;
	v7 =	vmin.u32 v7, $0xA;
	[sflag:s17] =	ssyncadd.s32 $0xFFFFFF80  }
.Ltmp1:
0x1c: {  	[tilespmem:$0x8480] =	vst v7;
	(pc) =	sbr.rel @!p0 .LBB2_26-.Ltmp1, $4  }
0x1d: {  	[hbm4b:s8+s2] =	stream.linear.scatter [tilespmem:s18], [sflag:$0x3], $0x80, $0x38;
	[tilespmem:$0x8500] =	vst v63  }
0x1e: {  	_ =	swait.ge [sflag:s17], $0x80  }
0x1f: {  	[sflag:s17] =	ssyncset.done $0x0  }
0x20: {  	[sflag:s17] =	ssyncadd.s32 $0xFFFFFF80  }
.LBB2_1:
0x21: {  	[tilespmem:s2], [sflag:$0x1] =	stream.strided.gather [hbm4b:s3+s10], $0x2100, s11, s10, $0x38;
	[tilespmem:$0x8500] =	vst v63  }
0x22: {  	_ = 	snop  }
0x23: {  	[tilespmem:s12], [sflag:$0x2] =	stream.strided.gather [hbm4b:s4+s10], $0x2100, s11, s10, $0x38;
	[tilespmem:$0x8500] =	vst v63  }
0x24: {  	_ =	swait.ge [sflag:s13], $0x2100  }
0x25: {  	[sflag:s13] =	ssyncset.done $0x0  }
0x26: {  	s21 =	simm.s32 $0x0;
	v7 =	vlaneseq.u32;
	v8 =	vlaneseq.u32;
	[sflag:s13] =	ssyncadd.s32 $0xFFFFDF00  }
.LBB2_2:
0x27: {  	s22 =	sshra.s32 s21, $0x2  }
0x28: {  	v9 =	vld [tilespmem:s22+$0x0];
	_ =	sdelay $0x4  }
0x29: {  	vm0 =	vlt.f32 v9, $1.000000000e+09;
	_ =	sdelay $0x5  }
0x2a: {  	[tilespmem:v8+s14+$0x0] =	vst.idx.msk vm0, v9  }
0x2b: {  	[tilespmem:v8+s15+$0x0] =	vst.idx.msk vm0, v7  }
0x2c: {  	v9 =	vld [tilespmem:s22+$0x10];
	_ =	sdelay $0x4  }
0x2d: {  	v10 =	vsel vm0, $0x10, v2;
	vm12 =	vlt.f32 v9, $1.000000000e+09  }
0x2e: {  	v8 =	vadd.s32 v8, v10;
	_ =	sdelay $0x4  }
0x2f: {  	v10 =	vadd.s32 $0x10, v7;
	[tilespmem:v8+s14+$0x0] =	vst.idx.msk vm12, v9  }
0x30: {  	[tilespmem:v8+s15+$0x0] =	vst.idx.msk vm12, v10  }
0x31: {  	v9 =	vld [tilespmem:s22+$0x20];
	_ =	sdelay $0x4  }
0x32: {  	v10 =	vsel vm12, $0x10, v2;
	vm13 =	vlt.f32 v9, $1.000000000e+09  }
0x33: {  	v8 =	vadd.s32 v8, v10;
	_ =	sdelay $0x4  }
0x34: {  	v10 =	vadd.s32 $0x20, v7;
	[tilespmem:v8+s14+$0x0] =	vst.idx.msk vm13, v9  }
0x35: {  	[tilespmem:v8+s15+$0x0] =	vst.idx.msk vm13, v10  }
0x36: {  	v9 =	vld [tilespmem:s22+$0x30];
	_ =	sdelay $0x4  }
0x37: {  	v10 =	vsel vm13, $0x10, v2;
	vm14 =	vlt.f32 v9, $1.000000000e+09  }
0x38: {  	v8 =	vadd.s32 v8, v10;
	_ =	sdelay $0x4  }
0x39: {  	v10 =	vadd.s32 $0x30, v7;
	[tilespmem:v8+s14+$0x0] =	vst.idx.msk vm14, v9  }
0x3a: {  	[tilespmem:v8+s15+$0x0] =	vst.idx.msk vm14, v10  }
0x3b: {  	v9 =	vld [tilespmem:s22+$0x40];
	_ =	sdelay $0x4  }
0x3c: {  	v10 =	vsel vm14, $0x10, v2;
	vm15 =	vlt.f32 v9, $1.000000000e+09  }
0x3d: {  	v8 =	vadd.s32 v8, v10  }
0x3e: {  	p0 =	sne.s32 s21, $0x8200  }
.Ltmp2:
0x3f: {  	_ = 	snop;
	(pc) =	sbr.rel @p0 .LBB2_2-.Ltmp2, $3  }
0x40: {  	_ =	sdelay $0x1  }
0x41: {  	v10 =	vadd.s32 $0x40, v7;
	[tilespmem:v8+s14+$0x0] =	vst.idx.msk vm15, v9;
	v9 =	vsel vm15, $0x10, v2  }
0x42: {  	s21 =	sadd.s32 $0x140, s21;
	v7 =	vadd.s32 $0x50, v7;
	[tilespmem:v8+s15+$0x0] =	vst.idx.msk vm15, v10;
	v8 =	vadd.s32 v8, v9  }
0x43: {  	_ =	sdelay $0x1  }
0x44: {  	v9 =	vshrl.u32 v8, $0x4  }
0x45: {  	[tilespmem:$0x8400] =	vst v9  }
0x46: {  	v7 =	vld.idx.msk [tilespmem:v1+s16+$0x0], $0xffff;
	_ =	sdelay $0x4  }
0x47: {  	v7 =	vadd.s32 v9, v7  }
0x48: {  	[tilespmem:$0x8400] =	vst v7  }
0x49: {  	v8 =	vld.idx.msk [tilespmem:v3+s16+$0x0], $0xffff;
	_ =	sdelay $0x4  }
0x4a: {  	v7 =	vadd.s32 v7, v8;
	v8 =	vor.u32 $0x80000000, v9  }
0x4b: {  	[tilespmem:$0x8400] =	vst v7;
	(xrf1) =	vsort.ascd.msk.u32 $0xffff, v8, v9  }
0x4c: {  	v8 =	vld.idx.msk [tilespmem:v4+s16+$0x0], $0xffff;
	_ =	sdelay $0x4  }
0x4d: {  	v7 =	vadd.s32 v7, v8  }
0x4e: {  	[tilespmem:$0x8400] =	vst v7  }
0x4f: {  	v8 =	vld.idx.msk [tilespmem:v5+s16+$0x0], $0xffff;
	_ =	sdelay $0x4  }
0x50: {  	v7 =	vadd.s32 v7, v8  }
0x51: {  	(v2sf) =	vpush v7, $0x0;
	v8, _, _ =	vpop (xrf1)  }
0x52: {  	(v2sf) =	vpush v8, $0xF;
	_ =	sdelay $0xd  }
0x53: {  	s21 =	spop (v2sf)  }
0x54: {  	s22 =	spop (v2sf)  }
0x55: {  	s22 =	sxor.u32 $0x80000000, s22  }
0x56: {  	p0 =	slt.s32 s22, $0x1  }
.Ltmp3:
0x57: {  	_ = 	snop;
	(pc) =	sbr.rel @p0 .LBB2_9-.Ltmp3, $2  }
0x58: {  	_ =	sdelay $0x2  }
0x59: {  	v8 =	vimm.s32 $0xFFFFFFFF  }
0x5a: {  	s23 =	simm.s32 $0x4200  }
0x5b: {  	s24 =	simm.s32 $0x6300;
	v10 =	vld [tilespmem:s23+$0x0]  }
0x5c: {  	p1 =	sne.s32 s22, $0x1;
	v11 =	vld [tilespmem:s24+$0x0]  }
.Ltmp4:
0x5d: {  	s31 =	simm.s32 $0x0;
	(pc) =	sbr.rel @!p1 .LBB2_5-.Ltmp4, $4  }
0x5e: {  	v12 =	vmov s31  }
0x5f: {  	vm0 =	vlt.u32 v12, v9  }
0x60: {  	v12 =	vnsel vm0, $0x7F61B1E6, v10  }
0x61: {  	p0 =	por $0x0, $0x0;
	s24 =	simm.s32 $0x1;
	s23 =	simm.s32 $0x4210;
	v10 =	vimm.f32 $3.000000010e+38;
	(xrf1) =	vsort.ascd.msk.f32 $0xffff, v12, v11  }
0x62: {  	_ =	sdelay $0x9  }
0x63: {  	v11 =	vld [tilespmem:s23+$0x0];
	s23 =	simm.s32 $0x6310  }
0x64: {  	v12 =	vld [tilespmem:s23+$0x0];
	_ =	sdelay $0x1  }
0x65: {  	v15 =	vmov s24;
	v13, v14, _ =	vpop (xrf1)  }
0x66: {  	vm0 =	vlt.u32 v15, v9;
	v13 =	vperm.xlane v13, v6  }
0x67: {  	v11 =	vnsel vm0, $0x7F61B1E6, v11;
	v14 =	vperm.xlane v14, v6  }
0x68: {  	(xrf1) =	vsort.ascd.msk.f32 $0xffff, v11, v12;
	vm15 =	vlt.f32 v13, v10  }
0x69: {  	v11 =	vsel vm15, v13, v10;
	v63 =	vsel vm15, v14, v8  }
0x6a: {  	(xrf1) =	vsort.ascd.msk.f32 $0xffff, v11, v63;
	_ =	sdelay $0x2  }
0x6b: {  	p1 =	sne.s32 s22, $0x2  }
.Ltmp5:
0x6c: {  	_ = 	snop;
	(pc) =	sbr.rel @!p1 .LBB2_8-.Ltmp5, $2  }
0x6d: {  	_ =	sdelay $0x2  }
0x6e: {  	s24 =	simm.s32 $0x2;
	s25 =	simm.s32 $0x4220;
	p0 =	por $0x1, $0x1  }
.LBB2_7:
0x6f: {  	v11 =	vld [tilespmem:s25+$0x0];
	s23 =	sadd.s32 $0x10, s23;
	s26 =	smov.u32 s24;
	s24 =	sadd.s32 $0x1, s24  }
0x70: {  	v12 =	vld [tilespmem:s23+$0x0];
	p1 =	sne.s32 s22, s24;
	_ =	sdelay $0x1  }
0x71: {  	v13 =	vmov s26;
	v14, v15, _ =	vpop (xrf1)  }
0x72: {  	vm0 =	vlt.u32 v13, v9;
	v13 =	vperm.xlane v14, v6  }
0x73: {  	v14 =	vperm.xlane v15, v6;
	v11 =	vnsel vm0, $0x7F61B1E6, v11;
	v15, v16, _ =	vpop (xrf1)  }
0x74: {  	(xrf1) =	vsort.ascd.msk.f32 $0xffff, v11, v12;
	vm0 =	vlt.f32 v13, v15  }
0x75: {  	v11 =	vsel vm0, v13, v15;
	v12 =	vsel vm0, v14, v16  }
0x76: {  	(xrf1) =	vsort.ascd.msk.f32 $0xffff, v11, v12;
	_ =	sdelay $0x3  }
.Ltmp6:
0x77: {  	(pc) =	sbr.rel @p1 .LBB2_7-.Ltmp6, $2  }
0x78: {  	_ =	sdelay $0x2  }
0x79: {  	s25 =	sadd.s32 $0x10, s25  }
.LBB2_8:
0x7a: {  	_ =	sdelay $0x3  }
0x7b: {  	v9, v11, _ =	vpop (xrf1)  }
0x7c: {  	v9 =	vperm.xlane v9, v6;
	v12, v13, _ =	vpop @p0 (xrf1)  }
0x7d: {  	v11 =	vperm.xlane v11, v6;
	v10 =	vpsel p0, v12, v10  }
0x7e: {  	v8 =	vpsel p0, v13, v8;
	vm0 =	vlt.f32 v9, v10  }
0x7f: {  	v9 =	vsel vm0, v9, v10;
	v8 =	vsel vm0, v11, v8  }
0x80: {  	(xrf1) =	vsort.ascd.msk.f32 $0xffff, v9, v8;
	_ =	sdelay $0xd  }
0x81: {  	v9, v8, _ =	vpop (xrf1)  }
.LBB2_9:
0x82: {  	p0 =	sne.s32 s21, $0x0  }
.Ltmp7:
0x83: {  	_ = 	snop;
	(pc) =	sbr.rel @p0 .LBB2_13-.Ltmp7, $2  }
0x84: {  	_ =	sdelay $0x2  }
0x85: {  	s21 =	simm.s32 $0x0;
	s22 =	simm.s32 $0x0  }
0x86: {  	v12 =	vld [tilespmem:s21+$0x0];
	_ =	sdelay $0x3  }
0x87: {  	v9 =	vimm.f32 $+Inf;
	v10 =	vimm.s32 $0x40000000;
	v11 =	vor.u32 s21, v0  }
0x88: {  	s22 =	simm.s32 $0x10;
	s23 =	simm.s32 $0x10;
	vm1 =	vlt.s32 v11, v10;
	vm0 =	veq.f32 v12, v9  }
.LBB2_11:
0x89: {  	v13 =	vld [tilespmem:s23+$0x0];
	p0 =	sne.s32 s22, $0x20C0;
	vm2 =	vlt.f32 v12, v9;
	vm0 =	vmand vm1, vm0;
	s24 =	smov.u32 s22;
	s22 =	sadd.s32 $0x10, s22  }
.Ltmp8:
0x8a: {  	vm0 =	vmor vm2, vm0;
	(pc) =	sbr.rel @p0 .LBB2_11-.Ltmp8, $3  }
0x8b: {  	v9 =	vsel vm0, v12, v9;
	v10 =	vsel vm0, v11, v10;
	_ =	sdelay $0x1  }
0x8c: {  	v11 =	vor.u32 s24, v0  }
0x8d: {  	s23 =	sadd.s32 $0x10, s23;
	vm1 =	vlt.s32 v11, v10;
	vm0 =	veq.f32 v13, v9;
	v12 =	vmov v13  }
0x8e: {  	vm2 =	vlt.f32 v12, v9;
	vm0 =	vmand vm1, vm0  }
0x8f: {  	vm0 =	vmor vm2, vm0  }
0x90: {  	v9 =	vsel vm0, v12, v9;
	v10 =	vsel vm0, v11, v10  }
0x91: {  	(xrf1) =	vsort.ascd.msk.f32 $0xffff, v9, v10;
	_ =	sdelay $0xd  }
0x92: {  	v11, _, _ =	vpop (xrf1)  }
0x93: {  	v11 =	vadd.f32 $0.0e+00, v11;
	_ =	sdelay $0x1  }
0x94: {  	v11 =	vbroadcast v11, $0x0;
	_ =	sdelay $0x1  }
0x95: {  	vm15 =	veq.f32 v9, v11  }
0x96: {  	v9 =	vnsel vm15, $0x40000000, v10  }
0x97: {  	v10 =	vxor.u32 $0x80000000, v9  }
0x98: {  	(xrf1) =	vsort.ascd.msk.u32 $0xffff, v10, v9;
	_ =	sdelay $0xd  }
0x99: {  	v9, _, _ =	vpop (xrf1)  }
0x9a: {  	(v2sf) =	vpush v9, $0x0;
	_ =	sdelay $0xe  }
0x9b: {  	s22 =	spop (v2sf)  }
0x9c: {  	s22 =	sxor.u32 $0x80000000, s22  }
.LBB2_13:
0x9d: {  	v7 =	vbroadcast v7, $0x0;
	_ =	sdelay $0x1  }
0x9e: {  	vm0 =	vgt.s32 v7, $0x0  }
0x9f: {  	v8 =	vnsel vm0, s22, v8  }
0xa0: {  	[tilespmem:$0x8400] =	vst v8  }
0xa1: {  	[hbm4b:s5+s21] =	stream.linear.scatter [tilespmem:s16], [sflag:$0x3], $0x80, $0x38;
	[tilespmem:$0x8500] =	vst v63  }
0xa2: {  	vm15 =	vgt.s32 v7, $0x1;
	_ =	swait.ge [sflag:s17], $0x80  }
0xa3: {  	v7 =	vnsel vm15, $0x1, v7;
	[sflag:s17] =	ssyncset.done $0x0  }
0xa4: {  	v7 =	vmin.u32 v7, $0xA;
	[sflag:s17] =	ssyncadd.s32 $0xFFFFFF80  }
0xa5: {  	[tilespmem:$0x8480] =	vst v7  }
0xa6: {  	[hbm4b:s6+s21] =	stream.linear.scatter [tilespmem:s18], [sflag:$0x3], $0x80, $0x38;
	[tilespmem:$0x8500] =	vst v63  }
0xa7: {  	_ =	swait.ge [sflag:s17], $0x80  }
0xa8: {  	[sflag:s17] =	ssyncset.done $0x0  }
0xa9: {  	[sflag:s17] =	ssyncadd.s32 $0xFFFFFF80  }
0xaa: {  	_ =	swait.ge [sflag:s19], $0x2100  }
0xab: {  	[sflag:s19] =	ssyncset.done $0x0  }
0xac: {  	v8 =	vlaneseq.u32;
	v7 =	vlaneseq.u32;
	[sflag:s19] =	ssyncadd.s32 $0xFFFFDF00  }
.LBB2_14:
0xad: {  	s22 =	sshra.s32 s21, $0x2  }
0xae: {  	v9 =	vld [tilespmem:s22+$0x2100];
	_ =	sdelay $0x4  }
0xaf: {  	vm0 =	vlt.f32 v9, $1.000000000e+09;
	_ =	sdelay $0x5  }
0xb0: {  	[tilespmem:v8+s14+$0x0] =	vst.idx.msk vm0, v9  }
0xb1: {  	[tilespmem:v8+s15+$0x0] =	vst.idx.msk vm0, v7  }
0xb2: {  	v9 =	vld [tilespmem:s22+$0x2110];
	_ =	sdelay $0x4  }
0xb3: {  	v10 =	vsel vm0, $0x10, v2;
	vm12 =	vlt.f32 v9, $1.000000000e+09  }
0xb4: {  	v8 =	vadd.s32 v8, v10;
	_ =	sdelay $0x4  }
0xb5: {  	v10 =	vadd.s32 $0x10, v7;
	[tilespmem:v8+s14+$0x0] =	vst.idx.msk vm12, v9  }
0xb6: {  	[tilespmem:v8+s15+$0x0] =	vst.idx.msk vm12, v10  }
0xb7: {  	v9 =	vld [tilespmem:s22+$0x2120];
	_ =	sdelay $0x4  }
0xb8: {  	v10 =	vsel vm12, $0x10, v2;
	vm13 =	vlt.f32 v9, $1.000000000e+09  }
0xb9: {  	v8 =	vadd.s32 v8, v10;
	_ =	sdelay $0x4  }
0xba: {  	v10 =	vadd.s32 $0x20, v7;
	[tilespmem:v8+s14+$0x0] =	vst.idx.msk vm13, v9  }
0xbb: {  	[tilespmem:v8+s15+$0x0] =	vst.idx.msk vm13, v10  }
0xbc: {  	v9 =	vld [tilespmem:s22+$0x2130];
	_ =	sdelay $0x4  }
0xbd: {  	v10 =	vsel vm13, $0x10, v2;
	vm14 =	vlt.f32 v9, $1.000000000e+09  }
0xbe: {  	v8 =	vadd.s32 v8, v10;
	_ =	sdelay $0x4  }
0xbf: {  	v10 =	vadd.s32 $0x30, v7;
	[tilespmem:v8+s14+$0x0] =	vst.idx.msk vm14, v9  }
0xc0: {  	[tilespmem:v8+s15+$0x0] =	vst.idx.msk vm14, v10  }
0xc1: {  	v9 =	vld [tilespmem:s22+$0x2140];
	_ =	sdelay $0x4  }
0xc2: {  	v10 =	vsel vm14, $0x10, v2;
	vm15 =	vlt.f32 v9, $1.000000000e+09  }
0xc3: {  	v8 =	vadd.s32 v8, v10  }
0xc4: {  	p0 =	sne.s32 s21, $0x8200  }
.Ltmp9:
0xc5: {  	_ = 	snop;
	(pc) =	sbr.rel @p0 .LBB2_14-.Ltmp9, $3  }
0xc6: {  	_ =	sdelay $0x1  }
0xc7: {  	v10 =	vadd.s32 $0x40, v7;
	[tilespmem:v8+s14+$0x0] =	vst.idx.msk vm15, v9;
	v9 =	vsel vm15, $0x10, v2  }
0xc8: {  	s21 =	sadd.s32 $0x140, s21;
	v7 =	vadd.s32 $0x50, v7;
	[tilespmem:v8+s15+$0x0] =	vst.idx.msk vm15, v10;
	v8 =	vadd.s32 v8, v9  }
0xc9: {  	_ =	sdelay $0x1  }
0xca: {  	v9 =	vshrl.u32 v8, $0x4  }
0xcb: {  	[tilespmem:$0x8400] =	vst v9  }
0xcc: {  	v7 =	vld.idx.msk [tilespmem:v1+s16+$0x0], $0xffff;
	_ =	sdelay $0x4  }
0xcd: {  	v7 =	vadd.s32 v9, v7  }
0xce: {  	[tilespmem:$0x8400] =	vst v7  }
0xcf: {  	v8 =	vld.idx.msk [tilespmem:v3+s16+$0x0], $0xffff;
	_ =	sdelay $0x4  }
0xd0: {  	v7 =	vadd.s32 v7, v8;
	v8 =	vor.u32 $0x80000000, v9  }
0xd1: {  	[tilespmem:$0x8400] =	vst v7;
	(xrf1) =	vsort.ascd.msk.u32 $0xffff, v8, v9  }
0xd2: {  	v8 =	vld.idx.msk [tilespmem:v4+s16+$0x0], $0xffff;
	_ =	sdelay $0x4  }
0xd3: {  	v7 =	vadd.s32 v7, v8  }
0xd4: {  	[tilespmem:$0x8400] =	vst v7  }
0xd5: {  	v8 =	vld.idx.msk [tilespmem:v5+s16+$0x0], $0xffff;
	_ =	sdelay $0x4  }
0xd6: {  	v7 =	vadd.s32 v7, v8  }
0xd7: {  	(v2sf) =	vpush v7, $0x0;
	v8, _, _ =	vpop (xrf1)  }
0xd8: {  	(v2sf) =	vpush v8, $0xF;
	_ =	sdelay $0xd  }
0xd9: {  	s21 =	spop (v2sf)  }
0xda: {  	s22 =	spop (v2sf)  }
0xdb: {  	s22 =	sxor.u32 $0x80000000, s22  }
0xdc: {  	p0 =	slt.s32 s22, $0x1  }
.Ltmp10:
0xdd: {  	_ = 	snop;
	(pc) =	sbr.rel @p0 .LBB2_21-.Ltmp10, $2  }
0xde: {  	_ =	sdelay $0x2  }
0xdf: {  	v8 =	vimm.s32 $0xFFFFFFFF  }
0xe0: {  	s23 =	simm.s32 $0x4200  }
0xe1: {  	s24 =	simm.s32 $0x6300;
	v10 =	vld [tilespmem:s23+$0x0]  }
0xe2: {  	p1 =	sne.s32 s22, $0x1;
	v11 =	vld [tilespmem:s24+$0x0]  }
.Ltmp11:
0xe3: {  	s31 =	simm.s32 $0x0;
	(pc) =	sbr.rel @!p1 .LBB2_17-.Ltmp11, $4  }
0xe4: {  	v12 =	vmov s31  }
0xe5: {  	vm0 =	vlt.u32 v12, v9  }
0xe6: {  	v12 =	vnsel vm0, $0x7F61B1E6, v10  }
0xe7: {  	p0 =	por $0x0, $0x0;
	s24 =	simm.s32 $0x1;
	s23 =	simm.s32 $0x4210;
	v10 =	vimm.f32 $3.000000010e+38;
	(xrf1) =	vsort.ascd.msk.f32 $0xffff, v12, v11  }
0xe8: {  	_ =	sdelay $0x9  }
0xe9: {  	v11 =	vld [tilespmem:s23+$0x0];
	s23 =	simm.s32 $0x6310  }
0xea: {  	v12 =	vld [tilespmem:s23+$0x0];
	_ =	sdelay $0x1  }
0xeb: {  	v15 =	vmov s24;
	v13, v14, _ =	vpop (xrf1)  }
0xec: {  	vm0 =	vlt.u32 v15, v9;
	v13 =	vperm.xlane v13, v6  }
0xed: {  	v11 =	vnsel vm0, $0x7F61B1E6, v11;
	v14 =	vperm.xlane v14, v6  }
0xee: {  	(xrf1) =	vsort.ascd.msk.f32 $0xffff, v11, v12;
	vm15 =	vlt.f32 v13, v10  }
0xef: {  	v11 =	vsel vm15, v13, v10;
	v63 =	vsel vm15, v14, v8  }
0xf0: {  	(xrf1) =	vsort.ascd.msk.f32 $0xffff, v11, v63;
	_ =	sdelay $0x2  }
0xf1: {  	p1 =	sne.s32 s22, $0x2  }
.Ltmp12:
0xf2: {  	_ = 	snop;
	(pc) =	sbr.rel @!p1 .LBB2_20-.Ltmp12, $2  }
0xf3: {  	_ =	sdelay $0x2  }
0xf4: {  	s24 =	simm.s32 $0x2;
	s25 =	simm.s32 $0x4220;
	p0 =	por $0x1, $0x1  }
.LBB2_19:
0xf5: {  	v11 =	vld [tilespmem:s25+$0x0];
	s23 =	sadd.s32 $0x10, s23;
	s26 =	smov.u32 s24;
	s24 =	sadd.s32 $0x1, s24  }
0xf6: {  	v12 =	vld [tilespmem:s23+$0x0];
	p1 =	sne.s32 s22, s24;
	_ =	sdelay $0x1  }
0xf7: {  	v13 =	vmov s26;
	v14, v15, _ =	vpop (xrf1)  }
0xf8: {  	vm0 =	vlt.u32 v13, v9;
	v13 =	vperm.xlane v14, v6  }
0xf9: {  	v14 =	vperm.xlane v15, v6;
	v11 =	vnsel vm0, $0x7F61B1E6, v11;
	v15, v16, _ =	vpop (xrf1)  }
0xfa: {  	(xrf1) =	vsort.ascd.msk.f32 $0xffff, v11, v12;
	vm0 =	vlt.f32 v13, v15  }
0xfb: {  	v11 =	vsel vm0, v13, v15;
	v12 =	vsel vm0, v14, v16  }
0xfc: {  	(xrf1) =	vsort.ascd.msk.f32 $0xffff, v11, v12;
	_ =	sdelay $0x3  }
.Ltmp13:
0xfd: {  	(pc) =	sbr.rel @p1 .LBB2_19-.Ltmp13, $2  }
0xfe: {  	_ =	sdelay $0x2  }
0xff: {  	s25 =	sadd.s32 $0x10, s25  }
.LBB2_20:
0x100: {  	_ =	sdelay $0x3  }
0x101: {  	v9, v11, _ =	vpop (xrf1)  }
0x102: {  	v9 =	vperm.xlane v9, v6;
	v12, v13, _ =	vpop @p0 (xrf1)  }
0x103: {  	v11 =	vperm.xlane v11, v6;
	v10 =	vpsel p0, v12, v10  }
0x104: {  	v8 =	vpsel p0, v13, v8;
	vm0 =	vlt.f32 v9, v10  }
0x105: {  	v9 =	vsel vm0, v9, v10;
	v8 =	vsel vm0, v11, v8  }
0x106: {  	(xrf1) =	vsort.ascd.msk.f32 $0xffff, v9, v8;
	_ =	sdelay $0xd  }
0x107: {  	v9, v8, _ =	vpop (xrf1)  }
.LBB2_21:
0x108: {  	p0 =	sne.s32 s21, $0x0  }
.Ltmp14:
0x109: {  	_ = 	snop;
	(pc) =	sbr.rel @p0 .LBB2_25-.Ltmp14, $2  }
0x10a: {  	_ =	sdelay $0x2  }
0x10b: {  	s21 =	simm.s32 $0x0  }
0x10c: {  	s22 =	simm.s32 $0x2100  }
0x10d: {  	v12 =	vld [tilespmem:s22+$0x0];
	_ =	sdelay $0x3  }
0x10e: {  	v9 =	vimm.f32 $+Inf;
	v10 =	vimm.s32 $0x40000000;
	v11 =	vor.u32 s21, v0  }
0x10f: {  	s21 =	simm.s32 $0x10;
	vm1 =	vlt.s32 v11, v10;
	s22 =	simm.s32 $0x2110;
	vm0 =	veq.f32 v12, v9  }
.LBB2_23:
0x110: {  	v13 =	vld [tilespmem:s22+$0x0];
	p0 =	sne.s32 s21, $0x20C0;
	vm2 =	vlt.f32 v12, v9;
	vm0 =	vmand vm1, vm0;
	s23 =	smov.u32 s21;
	s21 =	sadd.s32 $0x10, s21  }
.Ltmp15:
0x111: {  	vm0 =	vmor vm2, vm0;
	(pc) =	sbr.rel @p0 .LBB2_23-.Ltmp15, $3  }
0x112: {  	v9 =	vsel vm0, v12, v9;
	v10 =	vsel vm0, v11, v10;
	_ =	sdelay $0x1  }
0x113: {  	v11 =	vor.u32 s23, v0  }
0x114: {  	s22 =	sadd.s32 $0x10, s22;
	vm1 =	vlt.s32 v11, v10;
	vm0 =	veq.f32 v13, v9;
	v12 =	vmov v13  }
0x115: {  	vm2 =	vlt.f32 v12, v9;
	vm0 =	vmand vm1, vm0  }
0x116: {  	vm0 =	vmor vm2, vm0  }
0x117: {  	v9 =	vsel vm0, v12, v9;
	v10 =	vsel vm0, v11, v10  }
0x118: {  	(xrf1) =	vsort.ascd.msk.f32 $0xffff, v9, v10;
	_ =	sdelay $0xd  }
0x119: {  	v11, _, _ =	vpop (xrf1)  }
0x11a: {  	v11 =	vadd.f32 $0.0e+00, v11;
	_ =	sdelay $0x1  }
0x11b: {  	v11 =	vbroadcast v11, $0x0;
	_ =	sdelay $0x1  }
0x11c: {  	vm15 =	veq.f32 v9, v11  }
0x11d: {  	v9 =	vnsel vm15, $0x40000000, v10  }
0x11e: {  	v10 =	vxor.u32 $0x80000000, v9  }
0x11f: {  	(xrf1) =	vsort.ascd.msk.u32 $0xffff, v10, v9;
	_ =	sdelay $0xd  }
0x120: {  	v9, _, _ =	vpop (xrf1)  }
0x121: {  	(v2sf) =	vpush v9, $0x0;
	_ =	sdelay $0xb  }
.Ltmp16:
0x122: {  	_ = 	snop;
	(pc) =	sbr.rel .LBB2_25-.Ltmp16, $3  }
0x123: {  	_ =	sdelay $0x1  }
0x124: {  	s21 =	spop (v2sf)  }
0x125: {  	s21 =	sxor.u32 $0x80000000, s21  }
.LBB2_5:
.Ltmp17:
0x126: {  	(pc) =	sbr.rel .LBB2_8-.Ltmp17, $2  }
0x127: {  	_ =	sdelay $0x2  }
0x128: {  	_ = 	snop  }
.LBB2_17:
.Ltmp18:
0x129: {  	(pc) =	sbr.rel .LBB2_20-.Ltmp18, $2  }
0x12a: {  	_ =	sdelay $0x2  }
0x12b: {  	_ = 	snop  }
.LBB2_26:
0x12c: {  	_ =	sfence.sel $0x180000  }
0x12d: {  	[bflag:$0x0] =	sbarrier.arrive $0xFFFF  }
0x12e: {  	p0 =	sne.s32 s1, $0x0;
	_ =	strace $0x90000047  }
0x12f: {  	s0 =	sadd.s32 @!p0 $0x100000, s0;
	[bflag:$0x2] =	sbarrier.arrive $0xFFFF  }
0x130: {  	[sflag:s0] =	ssyncadd.tile.s32 @!p0 $0x1;
	_ =	shalt  }
.Lfunc_end2:
_tile_overlayer_lowered:
.L_overlay_start_2:
0x131: {  	(tag) =	ssettag $0x2  }
0x132: {  	s0 =	rddreg [dreg:$0x0];
	s2 =	stileid.u32  }
0x133: {  	s1 =	rddreg [dreg:$0x1];
	p0 =	sne.s32 s2, $0x0  }
0x134: {  	s3 =	rddreg [dreg:$0x2];
	[bflag:$0x3] =	sbarrier.arrive $0xFFFF;
	s2 =	simm.s32 @!p0 $0x1C03  }
0x135: {  	[timem:s3], [sflag:s2] =	dma.local @!p0 [hbm:s0], s1  }
0x136: {  	s0 =	simm.s32 @!p0 $0x3  }
0x137: {  	_ =	swait.ge @!p0 [sflag:s0], s1  }
0x138: {  	s1 =	ssub.s32 @!p0 $0x0, s1;
	[sflag:s0] =	ssyncset.done @!p0 $0x0  }
0x139: {  	[sflag:s0] =	ssyncadd.s32 @!p0 s1  }
0x13a: {  	[bflag:$0x3] =	sbarrier.arrive $0xFFFF  }
0x13b: {  	_ =	shalt  }

// kernel: kernel.8.cloned.1.call-start
scs
__scs_entry_jumppad:
0x0: {  	(pc) =	sbr.rel $0x88, $3  }
0x1: {  	(tag) =	ssettag $0x0;
	lr =	simm.s32 $0x1  }
0x2: {  	[smem:$0x3F9C] =	sst lr;
	_ =	strace $0xD0000000  }
0x3: {  	_ = 	snop  }
0x4: {  	_ = 	snop  }
0x5: {  	_ = 	snop  }
0x6: {  	_ = 	snop  }
0x7: {  	_ = 	snop  }
__scs_overlays_trampoline_lowered:
0x8: {  	[smem:$0x3FAB] =	sst s0  }
0x9: {  	[smem:$0x3FAC] =	sst s1  }
0xa: {  	[smem:$0x3FAD] =	sst s2  }
0xb: {  	[smem:$0x3FAE] =	sst s3  }
0xc: {  	[smem:$0x3FAF] =	sst s4  }
0xd: {  	[smem:$0x3FB0] =	sst s5  }
0xe: {  	[smem:$0x3FB1] =	sst s6  }
0xf: {  	[smem:$0x3FB2] =	sst s7  }
0x10: {  	[smem:$0x3FB3] =	sst s8  }
0x11: {  	[smem:$0x3FB4] =	sst s9;
	s0 =	simm.s32 @!p0 $0x0  }
0x12: {  	s1 =	sld [smem:$0x3F9A];
	s0 =	simm.s32 @p0 $0x1  }
0x13: {  	[smem:$0x3FB5] =	sst s0;
	s0 =	simm.s32 @!p1 $0x0  }
0x14: {  	s2 =	sld [smem:$0x3F99];
	s0 =	simm.s32 @p1 $0x1  }
0x15: {  	[smem:$0x3FB6] =	sst s0;
	s0 =	simm.s32 @!p2 $0x0  }
0x16: {  	s3 =	sld [smem:$0x3FDB];
	s0 =	simm.s32 @p2 $0x1  }
0x17: {  	s4 =	simm.s32 $0x1BF5;
	[smem:$0x3FB8] =	sst s0  }
0x18: {  	s0 =	sld [smem:$0x3F9B];
	_ =	swait.ge [sflag:s4], $0x0  }
0x19: {  	s7 =	sld [smem:$0x3F9C]  }
0x1a: {  	s8 =	sadd.s32 $0xFFFFE003, lr  }
0x1b: {  	s9 =	sadd.s32 $0xFFFFFEF7, lr;
	s5 =	simm.s32 $0xFFFFFFFF;
	p2 =	slt.u32 s8, $0xFFFFF086  }
0x1c: {  	p1 =	slt.u32 s9, $0xF7A;
	s5 =	simm.s32 @!p2 $0x0  }
0x1d: {  	s5 =	simm.s32 @p1 $0x1;
	p0 =	seq.s32 s7, s2  }
0x1e: {  	s7 =	smul.u32 @!p0 $0xF7A, s2;
	p2 =	seq.s32 @!p0 s5, $0x0  }
0x1f: {  	s9 =	smul.u32 $0xF7A, s1;
	s8 =	simm.s32 @!p0 $0x1BF5;
	p2 =	por !p2, p0  }
0x20: {  	[sflag:s8] =	ssyncset.s32 @!p0 $0xFFFFF086;
	s6 =	sadd.s32 @!p0 s3, s7;
	s7 =	simm.s32 @!p0 $0x108  }
0x21: {  	s3 =	sadd.s32 s3, s9;
	s6 =	sadd.s32 @!p0 $0x88, s6;
	s7 =	simm.s32 @p2 $0x1082  }
0x22: {  	[simem:s7], [sflag:s8] =	dma.local @!p0 [hbm:s6], $0xF7A  }
0x23: {  	s9 =	sor.u32 $0xD0000000, s2;
	s6 =	simm.s32 $0x108;
	_ =	swait.ge @!p0 [sflag:s8], $0x0  }
0x24: {  	s3 =	sadd.s32 $0x88, s3;
	s6 =	simm.s32 @!p1 $0x1082;
	[sflag:s4] =	ssyncset.s32 $0xFFFFF086  }
0x25: {  	[simem:s6], [sflag:s4] =	dma.local [hbm:s3], $0xF7A  }
0x26: {  	[smem:$0x3F9C] =	sst s1;
	(tag) =	ssettag s2;
	_ =	strace s9  }
0x27: {  	s1 =	sld [smem:$0x3FAC]  }
0x28: {  	s2 =	sld [smem:$0x3FAD]  }
0x29: {  	s4 =	sld [smem:$0x3FAF]  }
0x2a: {  	p0 =	seq.s32 s5, $0x0;
	s5 =	sld [smem:$0x3FB0]  }
0x2b: {  	s6 =	sld [smem:$0x3FB1]  }
0x2c: {  	s7 =	sld [smem:$0x3FB2]  }
0x2d: {  	s3 =	simm.s32 $0x108;
	s8 =	sld [smem:$0x3FB3]  }
0x2e: {  	s3 =	simm.s32 @!p0 $0x1082;
	s9 =	sld [smem:$0x3FB4]  }
0x2f: {  	lr =	sadd.s32 s0, s3;
	s0 =	sld [smem:$0x3FAB]  }
0x30: {  	s3 =	sld [smem:$0x3FAE]  }
0x31: {  	[smem:$0x3FB7] =	sst s10  }
0x32: {  	s10 =	sld [smem:$0x3FB5];
	_ =	sdelay $0x3  }
0x33: {  	p0 =	seq.s32 s10, $0x1;
	s10 =	sld [smem:$0x3FB7];
	_ =	sdelay $0x3  }
0x34: {  	[smem:$0x3FB7] =	sst s10  }
0x35: {  	s10 =	sld [smem:$0x3FB6];
	_ =	sdelay $0x3  }
0x36: {  	p1 =	seq.s32 s10, $0x1;
	s10 =	sld [smem:$0x3FB7];
	_ =	sdelay $0x3  }
0x37: {  	[smem:$0x3FB7] =	sst s10  }
0x38: {  	s10 =	sld [smem:$0x3FB8]  }
0x39: {  	_ = 	snop;
	(pc) =	sbr.ind lr, $3  }
0x3a: {  	_ = 	snop  }
0x3b: {  	_ = 	snop  }
0x3c: {  	p2 =	seq.s32 s10, $0x1;
	s10 =	sld [smem:$0x3FB7]  }
0x3d: {  	_ =	shalt  }
0x3e: {  	_ =	shalt  }
0x3f: {  	_ =	shalt  }
0x40: {  	_ =	shalt  }
0x41: {  	_ =	shalt  }
0x42: {  	_ =	shalt  }
0x43: {  	_ =	shalt  }
0x44: {  	_ =	shalt  }
0x45: {  	_ =	shalt  }
0x46: {  	_ =	shalt  }
0x47: {  	_ =	shalt  }
0x48: {  	_ =	shalt  }
0x49: {  	_ =	shalt  }
0x4a: {  	_ =	shalt  }
0x4b: {  	_ =	shalt  }
0x4c: {  	_ =	shalt  }
0x4d: {  	_ =	shalt  }
0x4e: {  	_ =	shalt  }
0x4f: {  	_ =	shalt  }
0x50: {  	_ =	shalt  }
0x51: {  	_ =	shalt  }
0x52: {  	_ =	shalt  }
0x53: {  	_ =	shalt  }
0x54: {  	_ =	shalt  }
0x55: {  	_ =	shalt  }
0x56: {  	_ =	shalt  }
0x57: {  	_ =	shalt  }
0x58: {  	_ =	shalt  }
0x59: {  	_ =	shalt  }
0x5a: {  	_ =	shalt  }
0x5b: {  	_ =	shalt  }
0x5c: {  	_ =	shalt  }
0x5d: {  	_ =	shalt  }
0x5e: {  	_ =	shalt  }
0x5f: {  	_ =	shalt  }
0x60: {  	_ =	shalt  }
0x61: {  	_ =	shalt  }
0x62: {  	_ =	shalt  }
0x63: {  	_ =	shalt  }
0x64: {  	_ =	shalt  }
0x65: {  	_ =	shalt  }
0x66: {  	_ =	shalt  }
0x67: {  	_ =	shalt  }
0x68: {  	_ =	shalt  }
0x69: {  	_ =	shalt  }
0x6a: {  	_ =	shalt  }
0x6b: {  	_ =	shalt  }
0x6c: {  	_ =	shalt  }
0x6d: {  	_ =	shalt  }
0x6e: {  	_ =	shalt  }
0x6f: {  	_ =	shalt  }
0x70: {  	_ =	shalt  }
0x71: {  	_ =	shalt  }
0x72: {  	_ =	shalt  }
0x73: {  	_ =	shalt  }
0x74: {  	_ =	shalt  }
0x75: {  	_ =	shalt  }
0x76: {  	_ =	shalt  }
0x77: {  	_ =	shalt  }
0x78: {  	_ =	shalt  }
0x79: {  	_ =	shalt  }
0x7a: {  	_ =	shalt  }
0x7b: {  	_ =	shalt  }
0x7c: {  	_ =	shalt  }
0x7d: {  	_ =	shalt  }
0x7e: {  	_ =	shalt  }
0x7f: {  	_ =	shalt  }
0x80: {  	_ =	shalt  }
0x81: {  	_ =	shalt  }
0x82: {  	_ =	shalt  }
0x83: {  	_ =	shalt  }
0x84: {  	_ =	shalt  }
0x85: {  	_ =	shalt  }
0x86: {  	_ =	shalt  }
0x87: {  	_ =	shalt  }
.Lfunc_end0:
.L_simem_size_0:
called_computation.1_lowered:
.L_overlay_start_0:
0x88: {  	s2 =	sld [smem:$0x3FD9]  }
0x89: {  	s3 =	sld [smem:$0x3FFE];
	_ =	sdelay $0x1  }
0x8a: {  	s1 =	srdreg.scid  }
0x8b: {  	s0 =	sand.u32 $0x1, s1  }
0x8c: {  	s14 =	sshll.u32 s0, $0xA;
	s2 =	sadd.s32 s3, s2  }
0x8d: {  	s2 =	sadd.s32 s2, s14  }
0x8e: {  	[smem:$0x3FC3] =	sst s2  }
0x8f: {  	_ = 	snop  }
0x90: {  	s2 =	sld [smem:$0x3FD0];
	_ =	sdelay $0x1  }
0x91: {  	s15 =	sld [smem:$0x3FC6]  }
0x92: {  	s5 =	simm.s32 $0xA;
	s6 =	simm.s32 $0x10;
	s4 =	sld [smem:$0x3FC5]  }
0x93: {  	[smem:s6], [sflag:s5] =	dma.local [hbm:s2], $0x1  }
0x94: {  	_ =	swait.eq [sflag:s5], $0x1  }
0x95: {  	s16 =	sld [smem:$0x10];
	[sflag:s5] =	ssyncset.done $0x0  }
0x96: {  	s17 =	sld [smem:$0x11];
	[sflag:s5] =	ssyncadd.s32 $0xFFFFFFFF  }
0x97: {  	s18 =	sld [smem:$0x12];
	(tm) =	ssettm $0x1  }
0x98: {  	s7 =	sld [smem:$0x3FFB];
	_ =	sdelay $0x3  }
0x99: {  	_ =	strace s7  }
0x9a: {  	s7 =	sld [smem:$0x3FFC];
	_ =	sdelay $0x3  }
0x9b: {  	_ =	strace s7  }
0x9c: {  	s7 =	sld [smem:$0x3FFD];
	_ =	sdelay $0x3  }
0x9d: {  	_ =	strace s7  }
0x9e: {  	_ =	strace $0x8FFFFFFF  }
0x9f: {  	s19 =	sld [smem:$0x3FDB];
	_ =	sdelay $0x1  }
0xa0: {  	s8 =	simm.s32 $_scs_section_size  }
0xa1: {  	s9 =	simm.s32 $_size__tile_overlayer_lowered;
	s10 =	simm.s32 $_tile_overlayer_lowered  }
0xa2: {  	s22 =	simm.s32 $0x1BFF;
	s21 =	sshll.u32 s10, $0x1;
	s7 =	sadd.s32 s8, s19  }
0xa3: {  	s11 =	simm.s32 $0x0;
	s20 =	sshll.u32 s9, $0x1;
	s9 =	sadd.s32 s21, s7  }
0xa4: {  	[timem:s11], [sflag:s22] =	dma.local [hbm:s9], s20  }
0xa5: {  	_ =	swait.ge [sflag:s22], s20  }
0xa6: {  	s8 =	ssub.s32 $0x0, s20;
	[sflag:s22] =	ssyncset.done $0x0  }
0xa7: {  	[sflag:s22] =	ssyncadd.s32 s8;
	_ =	sdelay $0x1  }
0xa8: {  	s23 =	simm.s32 $0x1B8B  }
0xa9: {  	_ =	swait.ge [sflag:s23], $0x1  }
0xaa: {  	[sflag:s23] =	ssyncset.done $0x0  }
0xab: {  	s25 =	simm.s32 $0x1B8E;
	s24 =	sld [smem:$0x3FFE];
	[sflag:s23] =	ssyncadd.s32 $0xFFFFFFFF  }
0xac: {  	s26 =	simm.s32 $execute0_lowered;
	[smem:$0x3FD2] =	sst s25  }
0xad: {  	s9 =	sshll.u32 s26, $0x1;
	_ =	strace $0x80000049;
	[dreg:$0x1] =	wrdreg $0xFFFFFFFF  }
0xae: {  	s28 =	simm.s32 $_size_execute0_lowered;
	s7 =	sadd.s32 s7, s9;
	[dreg:$0x0] =	wrdreg $0x0  }
0xaf: {  	s9 =	sshll.u32 s28, $0x1;
	[dreg:$0x2] =	wrdreg s7  }
0xb0: {  	[dreg:$0x3] =	wrdreg s9  }
0xb1: {  	[dreg:$0x4] =	wrdreg $0xC0  }
0xb2: {  	_ =	task [dreg:s11], $0x5FFFF  }
0xb3: {  	[dreg:$0x1] =	wrdreg $0xFFFFFFFF  }
0xb4: {  	[dreg:$0x0] =	wrdreg $0x60  }
0xb5: {  	[dreg:$0x2] =	wrdreg s17  }
0xb6: {  	[dreg:$0x3] =	wrdreg s24  }
0xb7: {  	[dreg:$0x4] =	wrdreg s15  }
0xb8: {  	[dreg:$0x5] =	wrdreg s4  }
0xb9: {  	[dreg:$0x6] =	wrdreg s18  }
0xba: {  	[dreg:$0x7] =	wrdreg s16  }
0xbb: {  	[dreg:$0x8] =	wrdreg $0x9  }
0xbc: {  	_ =	task.clear_ibuf [dreg:s11], $0x9FFFF;
	_ =	strace $0x90000049  }
0xbd: {  	s29 =	simm.s32 $0x9;
	_ =	strace $0x8000004B  }
0xbe: {  	_ =	swait.ge [sflag:s29], $0x1  }
0xbf: {  	[sflag:s29] =	ssyncadd.s32 $0xFFFFFFFF  }
0xc0: {  	_ =	strace $0x9000004B  }
0xc1: {  	_ =	sfence  }
0xc2: {  	s30 =	sld [smem:$0x0];
	_ =	sdelay $0x2  }
0xc3: {  	s31 =	sshll.u32 s1, $0xD;
	s1 =	sshrl.u32 s1, $0x2  }
0xc4: {  	s3 =	sand.u32 $0x4000, s31;
	s1 =	sadd.s32 s1, s30  }
0xc5: {  	s0 =	sor.u32 s3, s0;
	s1 =	sshll.u32 s1, $0x11  }
0xc6: {  	s0 =	sor.u32 s1, s0  }
0xc7: {  	s0 =	sadd.s32 $0x8F2B, s0  }
0xc8: {  	[sflag:s0] =	ssyncadd.remote.s32 $0x1  }
0xc9: {  	_ =	sfence.sel $0xFFFF  }
0xca: {  	[dreg:$0x0] =	wrdreg $0xFFFFFFFF;
	(pc) =	sbr.abs _section_cstart, $3  }
0xcb: {  	[dreg:$0x1] =	wrdreg $0xFFFFFFFF  }
0xcc: {  	_ =	task.clear_ibuf [dreg:s11], $0x2FFFF;
	_ =	strace $0x9FFFFFFF  }
0xcd: {  	(tm) =	ssettm $0x7FFFFFFF  }
tec
execute0_lowered:
.L_overlay_start_1:
0x0: {  	(tag) =	ssettag $0x1  }
0x1: {  	s0 =	rddreg [dreg:$0x0]  }
0x2: {  	s8 =	rddreg [dreg:$0x1]  }
0x3: {  	s2 =	rddreg [dreg:$0x2]  }
0x4: {  	s3 =	rddreg [dreg:$0x3]  }
0x5: {  	s4 =	srdreg.scid;
	s5 =	rddreg [dreg:$0x4]  }
0x6: {  	s1 =	stileid.u32;
	s9 =	rddreg [dreg:$0x5];
	s6 =	simm.s32 $0x0  }
0x7: {  	s13 =	simm.s32 $0x15580;
	s14 =	simm.s32 $0x2;
	s15 =	simm.s32 $0x4000  }
0x8: {  	s16 =	simm.s32 $0x4080;
	s17 =	simm.s32 $0x4280;
	s18 =	simm.s32 $0xCA80  }
0x9: {  	s19 =	simm.s32 $0x1;
	s7 =	sand.u32 $0x1, s4;
	s29 =	sshll.u32 s1, $0x1  }
0xa: {  	s21 =	simm.s32 $0xCC00;
	s22 =	simm.s32 $0x0;
	s10 =	sor.u32 s7, s29  }
0xb: {  	[smem:$0x7FF] =	sst s6;
	s30 =	ssub.s32 $0x2, s7;
	s10 =	smul.u32 $0x110, s10  }
0xc: {  	s4 =	rddreg [dreg:$0x6];
	_ =	strace $0x8000004A;
	s12 =	sshrl.u32 s30, $0x1  }
0xd: {  	s7 =	sadd.s32 $0x1400, s8;
	s12 =	ssub.s32 s30, s12;
	s20 =	smin.u32 s10, $0x1FC0  }
0xe: {  	s12 =	smax.u32 s12, $0x1;
	s11 =	sshll.u32 s20, $0x4;
	s31 =	sshrl.u32 s20, $0x3  }
0xf: {  	v0 =	vlaneseq.u32;
	v1 =	vmov s20;
	s20 =	simm.s32 $0xCD80;
	s11 =	sadd.s32 s11, s8;
	s9 =	sadd.s32 s9, s31  }
0x10: {  	v2 =	vimm.s32 $0xFFFFFFFF;
	v3 =	vmul.u32 $0x80, v0;
	s8 =	sadd.s32 $0x1800, s11;
	s10 =	sadd.s32 $0x22600, s11;
	s11 =	sadd.s32 $0x43400, s11  }
.LBB2_1:
0x11: {  	[tilespmem:s13], [sflag:$0x1] =	stream.linear.gather [hbm4b:s5+s6], $0x8800, $0x38;
	[tilespmem:$0x1DD80] =	vst v63  }
0x12: {  	_ = 	snop  }
0x13: {  	[tilespmem:s6], [sflag:$0x2] =	stream.linear.gather [hbm4b:s0+s6], $0x2000, $0x38;
	[tilespmem:$0x1DD80] =	vst v63  }
0x14: {  	_ =	swait.ge [sflag:s14], $0x2000  }
0x15: {  	[sflag:s14] =	ssyncset.done $0x0  }
0x16: {  	s23 =	simm.s32 $0x2000;
	[sflag:s14] =	ssyncadd.s32 $0xFFFFE000  }
0x17: {  	[tilespmem:s23], [sflag:$0x2] =	stream.linear.gather [hbm4b:s7+s6], $0x2000, $0x38;
	[tilespmem:$0x1DD80] =	vst v63  }
0x18: {  	_ =	swait.ge [sflag:s14], $0x2000  }
0x19: {  	[sflag:s14] =	ssyncset.done $0x0  }
0x1a: {  	[sflag:s14] =	ssyncadd.s32 $0xFFFFE000  }
0x1b: {  	[tilespmem:s15], [sflag:$0x2] =	stream.linear.gather [hbm4b:s2+s6], $0x80, $0x38;
	[tilespmem:$0x1DD80] =	vst v63  }
0x1c: {  	_ =	swait.ge [sflag:s14], $0x80  }
0x1d: {  	[sflag:s14] =	ssyncset.done $0x0  }
0x1e: {  	[sflag:s14] =	ssyncadd.s32 $0xFFFFFF80  }
0x1f: {  	[tilespmem:s16], [sflag:$0x2] =	stream.linear.gather [hbm4b:s3+s6], $0x200, $0x38;
	[tilespmem:$0x1DD80] =	vst v63  }
0x20: {  	_ =	swait.ge [sflag:s14], $0x200  }
0x21: {  	[sflag:s14] =	ssyncset.done $0x0  }
0x22: {  	[sflag:s14] =	ssyncadd.s32 $0xFFFFFE00  }
0x23: {  	[tilespmem:s17], [sflag:$0x2] =	stream.linear.gather [hbm4b:s8+s6], $0x8800, $0x38;
	[tilespmem:$0x1DD80] =	vst v63  }
0x24: {  	_ =	swait.ge [sflag:s14], $0x8800  }
0x25: {  	[sflag:s14] =	ssyncset.done $0x0  }
0x26: {  	[sflag:s14] =	ssyncadd.s32 $0xFFFF7800  }
0x27: {  	[tilespmem:$0xCA80] =	vst v2  }
0x28: {  	[tilespmem:$0xCA90] =	vst v2  }
0x29: {  	[tilespmem:$0xCAA0] =	vst v2  }
0x2a: {  	[tilespmem:$0xCAB0] =	vst v2  }
0x2b: {  	[tilespmem:$0xCAC0] =	vst v2  }
0x2c: {  	[tilespmem:$0xCAD0] =	vst v2  }
0x2d: {  	[tilespmem:$0xCAE0] =	vst v2  }
0x2e: {  	[tilespmem:$0xCAF0] =	vst v2  }
0x2f: {  	[tilespmem:$0xCB00] =	vst v2  }
0x30: {  	[tilespmem:$0xCB10] =	vst v2  }
0x31: {  	[tilespmem:$0xCB20] =	vst v2  }
0x32: {  	[tilespmem:$0xCB30] =	vst v2  }
0x33: {  	[tilespmem:$0xCB40] =	vst v2  }
0x34: {  	[tilespmem:$0xCB50] =	vst v2  }
0x35: {  	[tilespmem:$0xCB60] =	vst v2  }
0x36: {  	[tilespmem:$0xCB70] =	vst v2  }
0x37: {  	[tilespmem:$0xCB80] =	vst v2  }
0x38: {  	v4 =	vld.msk [tilespmem:s23+$0x0 ss:$0x0], $0xffff  }
0x39: {  	s25 =	simm.s32 $0x1;
	s24 =	simm.s32 $0x0;
	s26 =	simm.s32 $0x0;
	v5 =	vld [tilespmem:s6+$0x0]  }
.LBB2_2:
0x3a: {  	p0 =	sne.s32 s25, $0x3F;
	_ =	sdelay $0x3  }
0x3b: {  	v5 =	vsub.s32 v5, v1  }
0x3c: {  	vm1 =	vgt.s32 v4, v0;
	vm0 =	vlt.u32 v5, $0x110;
	vm2 =	vgt.s32 v5, $0x0  }
0x3d: {  	vm0 =	vmand vm0, vm1;
	v4 =	vnsel vm2, $0x0, v5  }
0x3e: {  	v4 =	vmin.u32 v4, $0x10F;
	_ =	sdelay $0x2  }
.Ltmp0:
0x3f: {  	(pc) =	sbr.rel @p0 .LBB2_2-.Ltmp0, $4  }
0x40: {  	v5 =	vmov s24;
	s24 =	smov.u32 s25  }
0x41: {  	s23 =	sadd.s32 $0x80, s23;
	[tilespmem:v4+s18+$0x0] =	vst.idx.msk vm0, v5  }
0x42: {  	s26 =	sadd.s32 $0x80, s26;
	v4 =	vld.msk [tilespmem:s23+$0x0 ss:$0x0], $0xffff  }
0x43: {  	s25 =	sadd.s32 $0x1, s25;
	v5 =	vld [tilespmem:s26+$0x0]  }
0x44: {  	_ =	sdelay $0x3  }
0x45: {  	v5 =	vsub.s32 v5, v1  }
0x46: {  	vm1 =	vgt.s32 v4, v0;
	vm0 =	vlt.u32 v5, $0x110;
	vm2 =	vgt.s32 v5, $0x0  }
0x47: {  	vm0 =	vmand vm0, vm1;
	v4 =	vnsel vm2, $0x0, v5  }
0x48: {  	v4 =	vmin.u32 v4, $0x10F;
	_ =	sdelay $0x3  }
0x49: {  	v5 =	vmov s24  }
0x4a: {  	[tilespmem:v4+s18+$0x0] =	vst.idx.msk vm0, v5  }
0x4b: {  	_ =	swait.ge [sflag:s19], $0x8800  }
0x4c: {  	[sflag:s19] =	ssyncset.done $0x0  }
0x4d: {  	s23 =	simm.s32 $0xCA80;
	[sflag:s19] =	ssyncadd.s32 $0xFFFF7800  }
0x4e: {  	v4 =	vld [tilespmem:s23+$0x0];
	_ =	sdelay $0x4  }
0x4f: {  	vm0 =	vgt.s32 v4, $0x0  }
0x50: {  	v5 =	vnsel vm0, $0x0, v4;
	_ =	sdelay $0x3  }
0x51: {  	s31 =	simm.s32 $0x0  }
0x52: {  	v7 =	vmov s31;
	v6 =	vld.idx.msk [tilespmem:v5+s15+$0x0], $0xffff  }
0x53: {  	v7 =	vshll.u32 v7, $0x7  }
0x54: {  	v7 =	vor.u32 v3, v7;
	v8 =	vadd.s32 $0x180, v5  }
0x55: {  	v9 =	vor.u32 $0x3, v7  }
0x56: {  	vm0 =	vgt.s32 v4, $0xFFFFFFFF  }
0x57: {  	s24 =	simm.s32 $0xCC00;
	v10 =	vadd.s32 $0x100, v5;
	v4 =	vnsel vm0, $0x50, v6  }
0x58: {  	v12 =	vor.u32 $0x1, v7;
	[tilespmem:s24+$0x0] =	vst v4  }
0x59: {  	v6 =	vadd.s32 $0x80, v5;
	v8 =	vld.idx.msk [tilespmem:v8+s16+$0x0], $0xffff  }
0x5a: {  	v11 =	vor.u32 $0x2, v7;
	v13 =	vld.idx.msk [tilespmem:v9+s17+$0x0], $0xffff  }
0x5b: {  	v5 =	vld.idx.msk [tilespmem:v5+s16+$0x0], $0xffff  }
0x5c: {  	v10 =	vld.idx.msk [tilespmem:v10+s16+$0x0], $0xffff  }
0x5d: {  	v15 =	vld.idx.msk [tilespmem:v12+s17+$0x0], $0xffff  }
0x5e: {  	v14 =	vld.idx.msk [tilespmem:v6+s16+$0x0], $0xffff  }
0x5f: {  	v6 =	vld.idx.msk [tilespmem:v11+s17+$0x0], $0xffff  }
0x60: {  	v16 =	vld.idx.msk [tilespmem:v7+s17+$0x0], $0xffff;
	_ =	sdelay $0x2  }
0x61: {  	v17 =	vmin.f32 v13, v8;
	v19 =	vsub.f32 v10, v5  }
0x62: {  	v13 =	vsub.f32 v13, v15;
	v18 =	vsub.f32 v8, v14;
	v20 =	vmin.f32 v6, v10  }
0x63: {  	v6 =	vsub.f32 v6, v16;
	v16 =	vmax.f32 v16, v5;
	v15 =	vmax.f32 v15, v14  }
0x64: {  	v16 =	vsub.f32 v20, v16;
	v15 =	vsub.f32 v17, v15  }
0x65: {  	v61 =	vmul.f32 v18, v19;
	v13 =	vmul.f32 v13, v6  }
0x66: {  	v6 =	vmax.f32 v16, $0.0e+00;
	v15 =	vmax.f32 v15, $0.0e+00  }
0x67: {  	v6 =	vmul.f32 v15, v6;
	v13 =	vadd.f32 v61, v13;
	_ =	sdelay $0x1  }
0x68: {  	v5 =	vnsel vm0, $0x0, v5;
	v13 =	vsub.f32 v13, v6  }
0x69: {  	[tilespmem:v7+s20+$0x0] =	vst.idx.msk $0xffff, v5;
	v5 =	vnsel vm0, $0x0, v14  }
0x6a: {  	[tilespmem:v12+s20+$0x0] =	vst.idx.msk $0xffff, v5;
	v5 =	vnsel vm0, $0x0, v10;
	v62 =	vadd.f32 $9.999999970e-07, v13  }
0x6b: {  	v63 =	vand.u32 $0xFFFFFF80, v4;
	v8 =	vnsel vm0, $0x0, v8;
	[tilespmem:v11+s20+$0x0] =	vst.idx.msk $0xffff, v5  }
0x6c: {  	s25 =	simm.s32 $0x10;
	v5 =	vadd.s32 v7, v63;
	[tilespmem:v9+s20+$0x0] =	vst.idx.msk $0xffff, v8;
	(erf) = vrcp.f32 v62  }
.LBB2_4:
0x6d: {  	_ =	sdelay $0x4  }
0x6e: {  	p0 =	sne.s32 s25, $0x100;
	s23 =	sadd.s32 $0x10, s23;
	s24 =	sadd.s32 $0x10, s24  }
0x6f: {  	v4 =	vand.u32 $0x7F, v4;
	s26 =	smov.u32 s25;
	s25 =	sadd.s32 $0x10, s25  }
0x70: {  	v4 =	vor.u32 v4, v5  }
0x71: {  	v5 =	vpop (erf)  }
0x72: {  	v5 =	vmul.f32 v5, v6;
	_ =	sdelay $0x1  }
0x73: {  	v5 =	vnsel vm0, $0x0, v5  }
0x74: {  	[tilespmem:v4+s13+$0x0] =	vst.idx.msk $0xffff, v5  }
0x75: {  	v4 =	vld [tilespmem:s23+$0x0];
	_ =	sdelay $0x4  }
0x76: {  	vm0 =	vgt.s32 v4, $0x0  }
0x77: {  	v6 =	vnsel vm0, $0x0, v4;
	_ =	sdelay $0x4  }
0x78: {  	v5 =	vld.idx.msk [tilespmem:v6+s15+$0x0], $0xffff  }
0x79: {  	v7 =	vmov s26  }
0x7a: {  	v7 =	vshll.u32 v7, $0x7  }
0x7b: {  	v7 =	vor.u32 v3, v7;
	v8 =	vadd.s32 $0x180, v6  }
0x7c: {  	v9 =	vor.u32 $0x3, v7  }
0x7d: {  	vm0 =	vgt.s32 v4, $0xFFFFFFFF  }
0x7e: {  	v10 =	vadd.s32 $0x80, v6;
	v4 =	vnsel vm0, $0x50, v5  }
0x7f: {  	v11 =	vadd.s32 $0x100, v6;
	v5 =	vand.u32 $0xFFFFFF80, v4;
	[tilespmem:s24+$0x0] =	vst v4  }
0x80: {  	v12 =	vor.u32 $0x2, v7;
	v5 =	vadd.s32 v7, v5;
	v8 =	vld.idx.msk [tilespmem:v8+s16+$0x0], $0xffff  }
0x81: {  	v13 =	vor.u32 $0x1, v7;
	v14 =	vld.idx.msk [tilespmem:v9+s17+$0x0], $0xffff  }
0x82: {  	v6 =	vld.idx.msk [tilespmem:v6+s16+$0x0], $0xffff  }
0x83: {  	v10 =	vld.idx.msk [tilespmem:v10+s16+$0x0], $0xffff  }
0x84: {  	v11 =	vld.idx.msk [tilespmem:v11+s16+$0x0], $0xffff  }
0x85: {  	v15 =	vld.idx.msk [tilespmem:v12+s17+$0x0], $0xffff  }
0x86: {  	v17 =	vnsel vm0, $0x0, v8;
	v16 =	vld.idx.msk [tilespmem:v13+s17+$0x0], $0xffff  }
0x87: {  	v19 =	vmin.f32 v14, v8;
	v18 =	vld.idx.msk [tilespmem:v7+s17+$0x0], $0xffff  }
0x88: {  	v20 =	vnsel vm0, $0x0, v6  }
0x89: {  	v8 =	vsub.f32 v8, v10;
	[tilespmem:v7+s20+$0x0] =	vst.idx.msk $0xffff, v20;
	v7 =	vnsel vm0, $0x0, v10  }
0x8a: {  	v20 =	vsub.f32 v11, v6;
	[tilespmem:v13+s20+$0x0] =	vst.idx.msk $0xffff, v7;
	v7 =	vnsel vm0, $0x0, v11  }
0x8b: {  	v11 =	vmin.f32 v15, v11;
	[tilespmem:v12+s20+$0x0] =	vst.idx.msk $0xffff, v7  }
0x8c: {  	v7 =	vsub.f32 v14, v16;
	v8 =	vmul.f32 v8, v20;
	[tilespmem:v9+s20+$0x0] =	vst.idx.msk $0xffff, v17  }
0x8d: {  	v6 =	vmax.f32 v18, v6;
	v9 =	vmax.f32 v16, v10;
	v10 =	vsub.f32 v15, v18  }
0x8e: {  	v6 =	vsub.f32 v11, v6;
	v9 =	vsub.f32 v19, v9  }
0x8f: {  	v7 =	vmul.f32 v7, v10  }
0x90: {  	v6 =	vmax.f32 v6, $0.0e+00;
	v9 =	vmax.f32 v9, $0.0e+00  }
0x91: {  	v6 =	vmul.f32 v9, v6;
	v7 =	vadd.f32 v8, v7;
	_ =	sdelay $0x1  }
.Ltmp1:
0x92: {  	v7 =	vsub.f32 v7, v6;
	(pc) =	sbr.rel @p0 .LBB2_4-.Ltmp1, $3  }
0x93: {  	_ = 	snop  }
0x94: {  	v7 =	vadd.f32 $9.999999970e-07, v7;
	_ =	sdelay $0x1  }
0x95: {  	(erf) = vrcp.f32 v7  }
0x96: {  	_ =	sdelay $0x5  }
0x97: {  	v4 =	vand.u32 $0x7F, v4  }
0x98: {  	v4 =	vor.u32 v4, v5  }
0x99: {  	v5 =	vpop (erf)  }
0x9a: {  	v5 =	vmul.f32 v5, v6;
	_ =	sdelay $0x1  }
0x9b: {  	v5 =	vnsel vm0, $0x0, v5  }
0x9c: {  	[tilespmem:v4+s13+$0x0] =	vst.idx.msk $0xffff, v5  }
0x9d: {  	[hbm4b:s9+s6] =	stream.linear.scatter [tilespmem:s21], [sflag:$0x2], $0x110, $0x38;
	[tilespmem:$0x1DD80] =	vst v63  }
0x9e: {  	_ =	swait.ge [sflag:s14], $0x110  }
0x9f: {  	[sflag:s14] =	ssyncset.done $0x0  }
0xa0: {  	[sflag:s14] =	ssyncadd.s32 $0xFFFFFEF0  }
0xa1: {  	[hbm4b:s10+s6] =	stream.linear.scatter [tilespmem:s20], [sflag:$0x2], $0x8800, $0x38;
	[tilespmem:$0x1DD80] =	vst v63  }
0xa2: {  	s22 =	sadd.s32 $0x1, s22;
	_ =	swait.ge [sflag:s14], $0x8800  }
0xa3: {  	p0 =	sne.s32 s22, s12;
	[sflag:s14] =	ssyncset.done $0x0  }
.Ltmp2:
0xa4: {  	[sflag:s14] =	ssyncadd.s32 $0xFFFF7800;
	(pc) =	sbr.rel @p0 .LBB2_1-.Ltmp2, $4  }
0xa5: {  	[hbm4b:s11+s6] =	stream.linear.scatter [tilespmem:s13], [sflag:$0x2], $0x8800, $0x38;
	[tilespmem:$0x1DD80] =	vst v63  }
0xa6: {  	_ =	swait.ge [sflag:s14], $0x8800  }
0xa7: {  	[sflag:s14] =	ssyncset.done $0x0  }
0xa8: {  	[sflag:s14] =	ssyncadd.s32 $0xFFFF7800  }
0xa9: {  	_ =	sfence.sel $0x180000  }
0xaa: {  	[bflag:$0x0] =	sbarrier.arrive $0xFFFF  }
0xab: {  	p0 =	sne.s32 s1, $0x0;
	_ =	strace $0x9000004A  }
0xac: {  	s0 =	sadd.s32 @!p0 $0x100000, s4;
	[bflag:$0x2] =	sbarrier.arrive $0xFFFF  }
0xad: {  	[sflag:s0] =	ssyncadd.tile.s32 @!p0 $0x1;
	_ =	shalt  }
.Lfunc_end2:
_tile_overlayer_lowered:
.L_overlay_start_2:
0xae: {  	(tag) =	ssettag $0x2  }
0xaf: {  	s0 =	rddreg [dreg:$0x0];
	s2 =	stileid.u32  }
0xb0: {  	s1 =	rddreg [dreg:$0x1];
	p0 =	sne.s32 s2, $0x0  }
0xb1: {  	s3 =	rddreg [dreg:$0x2];
	[bflag:$0x3] =	sbarrier.arrive $0xFFFF;
	s2 =	simm.s32 @!p0 $0x1C02  }
0xb2: {  	[timem:s3], [sflag:s2] =	dma.local @!p0 [hbm:s0], s1  }
0xb3: {  	s0 =	simm.s32 @!p0 $0x2  }
0xb4: {  	_ =	swait.ge @!p0 [sflag:s0], s1  }
0xb5: {  	s1 =	ssub.s32 @!p0 $0x0, s1;
	[sflag:s0] =	ssyncset.done @!p0 $0x0  }
0xb6: {  	[sflag:s0] =	ssyncadd.s32 @!p0 s1  }
0xb7: {  	[bflag:$0x3] =	sbarrier.arrive $0xFFFF  }
0xb8: {  	_ =	shalt  }

</sc_bundles>
